<compile_context>
chip_gen: v7x
topology: tpu7x:2x2x1
jax: 0.10.2.dev20260603
libtpu: 0.0.44.dev20260713+nightly
codegen_flags: <defaults>
</compile_context>

<pallas_src>
import functools

import jax
import jax.numpy as jnp
from jax import lax
from jax.experimental import pallas as pl
from jax.experimental.pallas import tpu as pltpu
from jax.experimental.pallas import tpu_sc as plsc

_info = plsc.get_sparse_core_info()
_NC, _NS = _info.num_cores, _info.num_subcores
_NW = _NC * _NS

_COLS = 10240


def _transpose_body(tt_ref, out_ref):
    x = tt_ref[...]
    for s in range(x.shape[1] // 512):
        parts = [
            x[:, 512 * s + 128 * a : 512 * s + 128 * (a + 1)] for a in range(4)
        ]
        out_ref[pl.ds(128 * s, 128), :] = jnp.concatenate(parts, axis=0).T


def _make_tc_transpose(n_rows, dim):
    grid = (n_rows + _COLS - 1) // _COLS
    return pl.pallas_call(
        _transpose_body,
        grid=(grid,),
        in_specs=[pl.BlockSpec((dim, _COLS), lambda c: (0, c))],
        out_specs=pl.BlockSpec((_COLS * dim // 128, 128), lambda c: (c, 0)),
        out_shape=jax.ShapeDtypeStruct((grid * _COLS * dim // 128, 128), jnp.float32),
    )


def _make_sc_gather(batch, n_rows_padded, dim):
    b_per_w = batch // _NW
    mesh = plsc.VectorSubcoreMesh(core_axis_name="c", subcore_axis_name="s")

    @functools.partial(
        pl.kernel,
        mesh=mesh,
        out_type=jax.ShapeDtypeStruct((batch, dim), jnp.float32),
        scratch_types=[
            pltpu.VMEM((b_per_w,), jnp.int32),
            pltpu.VMEM((b_per_w,), jnp.int32),
            pltpu.VMEM((b_per_w, dim), jnp.float32),
            pltpu.SemaphoreType.DMA,
        ],
        compiler_params=pltpu.CompilerParams(use_tc_tiling_on_sc=False),
    )
    def gather_kernel(table_hbm, idx_hbm, out_hbm, idx_v, jdx_v, rows_v, sem):
        wid = lax.axis_index("s") * _NC + lax.axis_index("c")
        base = wid * b_per_w
        pltpu.sync_copy(idx_hbm.at[pl.ds(base, b_per_w)], idx_v)
        for k in range(b_per_w // 16):
            i = idx_v[pl.ds(k * 16, 16)]
            j = (i - (i & 511)) + ((i & 127) << 2) + ((i >> 7) & 3)
            jdx_v[pl.ds(k * 16, 16)] = j
        pltpu.async_copy(table_hbm.at[jdx_v], rows_v, sem).wait()
        pltpu.sync_copy(rows_v, out_hbm.at[pl.ds(base, b_per_w)])

    return gather_kernel


@jax.jit
def kernel(ethnicity_idx, embedding_table):
    batch = ethnicity_idx.shape[0]
    n_rows, dim = embedding_table.shape
    idx = ethnicity_idx.astype(jnp.int32)
    t2 = _make_tc_transpose(n_rows, dim)(embedding_table.T)
    n_rows_padded = t2.shape[0] * 128 // dim
    t_lin = t2.reshape(n_rows_padded, dim)
    gather = _make_sc_gather(batch, n_rows_padded, dim)
    return gather(t_lin, idx)

# --- scband reference (transcript-rebuilt; emitter-appended) ---
"""Pipeline reference for scband-ethnicity-embedding-mlp-34711925686433 (READ-ONLY COPY).

The authoritative reference and input builder live on the scoring server;
editing this copy changes nothing except your own understanding.
"""

import jax, jax.numpy as jnp
import numpy as np

N_ETHNICITIES = 100000
EMBED_DIM = 32
BATCH = 16384

def setup_inputs(seed: int = 0) -> dict:
    key = jax.random.key(seed)
    k_idx, k_tab = jax.random.split(key)
    ethnicity_idx = jax.random.randint(k_idx, (BATCH,), 0, N_ETHNICITIES, dtype=jnp.int64 if jax.config.jax_enable_x64 else jnp.int32)
    # nn.Embedding default init: N(0, 1)
    embedding_table = jax.random.normal(k_tab, (N_ETHNICITIES, EMBED_DIM), dtype=jnp.float32)
    return {"ethnicity_idx": ethnicity_idx, "embedding_table": embedding_table}

def reference(ethnicity_idx, embedding_table):
    # nn.Embedding forward: row gather from table
    return jnp.take(embedding_table, ethnicity_idx, axis=0)

if __name__ == "__main__":
    import jax
    _d = setup_inputs()
    print(jax.jit(kernel)(*tuple(_d.values())))

</pallas_src>

<mosaic_0001>
#map = affine_map<(d0, d1) -> (0, 0)>
#map1 = affine_map<(d0, d1) -> (0)>
module attributes {stable_mosaic.version = 14 : i64} {
  func.func @gather_kernel(%arg0: i32, %arg1: i32, %arg2: memref<102400x32xf32, #tpu.memory_space<hbm>>, %arg3: memref<16384xi32, #tpu.memory_space<hbm>>, %arg4: memref<16384x32xf32, #tpu.memory_space<hbm>>, %arg5: memref<512xi32, #tpu.memory_space<vmem>>, %arg6: memref<512xi32, #tpu.memory_space<vmem>>, %arg7: memref<512x32xf32, #tpu.memory_space<vmem>>, %arg8: memref<!tpu.dma_semaphore, #tpu.memory_space<semaphore_mem>>) attributes {dimension_semantics = [#tpu.dimension_semantics<core_parallel>, #tpu.dimension_semantics<subcore_parallel>], iteration_bounds = array<i64: 2, 16>, scalar_prefetch = 0 : i64, scratch_operands = 4 : i64, tpu.core_type = #tpu.core_type<sc_vector_subcore>, window_params = [{transform_indices = #map}, {transform_indices = #map1}, {transform_indices = #map}]} {
    %mul3A = arith.constant 2 : i32
    %mul3A_0 = arith.muli %arg1, %mul3A : i32
    %add3A = arith.addi %mul3A_0, %arg0 : i32
    %mul3A_1 = arith.constant 512 : i32
    %mul3A_2 = arith.muli %add3A, %mul3A_1 : i32
    "tpu.region"() ({
      %run_scoped3A = tpu.sem_alloc : memref<!tpu.dma_semaphore, #tpu.memory_space<semaphore_mem>>
      %dma_start3A_801 = tpu.memref_slice %arg3[%mul3A_2] : memref<16384xi32, #tpu.memory_space<hbm>> -> memref<512xi32, #tpu.memory_space<hbm>>
      %dma_start3A_802 = tpu.memref_slice %arg3[%mul3A_2] : memref<16384xi32, #tpu.memory_space<hbm>> -> memref<512xi32, #tpu.memory_space<hbm>>
      tpu.enqueue_dma source(%dma_start3A_802 : memref<512xi32, #tpu.memory_space<hbm>>) target(%arg5 : memref<512xi32, #tpu.memory_space<vmem>>) target_semaphore(%run_scoped3A : memref<!tpu.dma_semaphore, #tpu.memory_space<semaphore_mem>>)
      %dma_wait3A_803 = tpu.memref_slice %arg3[%mul3A_2] : memref<16384xi32, #tpu.memory_space<hbm>> -> memref<512xi32, #tpu.memory_space<hbm>>
      %dma_wait3A_804 = tpu.memref_slice %arg3[%mul3A_2] : memref<16384xi32, #tpu.memory_space<hbm>> -> memref<512xi32, #tpu.memory_space<hbm>>
      tpu.wait_dma2 semaphore(%run_scoped3A : memref<!tpu.dma_semaphore, #tpu.memory_space<semaphore_mem>>) src(%dma_wait3A_804 : memref<512xi32, #tpu.memory_space<hbm>>) dst(%arg5 : memref<512xi32, #tpu.memory_space<vmem>>)
      tpu.yield
    }) : () -> ()
    %get3A = arith.constant 0 : index
    %get3A_3 = tpu.vector_load %arg5[%get3A] {strides = array<i32>} : memref<512xi32, #tpu.memory_space<vmem>>, vector<16xi32>,
    %get3A_4 = vector.shape_cast %get3A_3 : vector<16xi32> to vector<16xi32>
    %and3A = arith.constant 511 : i32
    %and3A_5 = vector.broadcast %and3A : i32 to vector<16xi32>
    %and3A_6 = arith.andi %get3A_4, %and3A_5 : vector<16xi32>
    %sub3A = arith.subi %get3A_4, %and3A_6 : vector<16xi32>
    %and3A_7 = arith.constant 127 : i32
    %and3A_8 = vector.broadcast %and3A_7 : i32 to vector<16xi32>
    %and3A_9 = arith.andi %get3A_4, %and3A_8 : vector<16xi32>
    %shift_left3A = arith.constant 2 : i32
    %shift_left3A_10 = vector.broadcast %shift_left3A : i32 to vector<16xi32>
    %shift_left3A_11 = arith.shli %and3A_9, %shift_left3A_10 : vector<16xi32>
    %add3A_12 = arith.addi %sub3A, %shift_left3A_11 : vector<16xi32>
    %shift_right_arithmetic3A = arith.constant 7 : i32
    %shift_right_arithmetic3A_13 = vector.broadcast %shift_right_arithmetic3A : i32 to vector<16xi32>
    %shift_right_arithmetic3A_14 = arith.shrsi %get3A_4, %shift_right_arithmetic3A_13 : vector<16xi32>
    %and3A_15 = arith.constant 3 : i32
    %and3A_16 = vector.broadcast %and3A_15 : i32 to vector<16xi32>
    %and3A_17 = arith.andi %shift_right_arithmetic3A_14, %and3A_16 : vector<16xi32>
    %add3A_18 = arith.addi %add3A_12, %and3A_17 : vector<16xi32>
    %swap3A = arith.constant 0 : index
    %swap3A_19 = tpu.vector_load %arg6[%swap3A] {strides = array<i32>} : memref<512xi32, #tpu.memory_space<vmem>>, vector<16xi32>,
    %swap3A_20 = vector.shape_cast %swap3A_19 : vector<16xi32> to vector<16xi32>
    %swap3A_21 = vector.shape_cast %add3A_18 : vector<16xi32> to vector<16xi32>
    tpu.vector_store %arg6[%swap3A], %swap3A_21 {strides = array<i32>} : memref<512xi32, #tpu.memory_space<vmem>>, vector<16xi32>,
    %get3A_22 = arith.constant 16 : index
    %get3A_23 = tpu.vector_load %arg5[%get3A_22] {strides = array<i32>} : memref<512xi32, #tpu.memory_space<vmem>>, vector<16xi32>,
    %get3A_24 = vector.shape_cast %get3A_23 : vector<16xi32> to vector<16xi32>
    %and3A_25 = arith.constant 511 : i32
    %and3A_26 = vector.broadcast %and3A_25 : i32 to vector<16xi32>
    %and3A_27 = arith.andi %get3A_24, %and3A_26 : vector<16xi32>
    %sub3A_28 = arith.subi %get3A_24, %and3A_27 : vector<16xi32>
    %and3A_29 = arith.constant 127 : i32
    %and3A_30 = vector.broadcast %and3A_29 : i32 to vector<16xi32>
    %and3A_31 = arith.andi %get3A_24, %and3A_30 : vector<16xi32>
    %shift_left3A_32 = arith.constant 2 : i32
    %shift_left3A_33 = vector.broadcast %shift_left3A_32 : i32 to vector<16xi32>
    %shift_left3A_34 = arith.shli %and3A_31, %shift_left3A_33 : vector<16xi32>
    %add3A_35 = arith.addi %sub3A_28, %shift_left3A_34 : vector<16xi32>
    %shift_right_arithmetic3A_36 = arith.constant 7 : i32
    %shift_right_arithmetic3A_37 = vector.broadcast %shift_right_arithmetic3A_36 : i32 to vector<16xi32>
    %shift_right_arithmetic3A_38 = arith.shrsi %get3A_24, %shift_right_arithmetic3A_37 : vector<16xi32>
    %and3A_39 = arith.constant 3 : i32
    %and3A_40 = vector.broadcast %and3A_39 : i32 to vector<16xi32>
    %and3A_41 = arith.andi %shift_right_arithmetic3A_38, %and3A_40 : vector<16xi32>
    %add3A_42 = arith.addi %add3A_35, %and3A_41 : vector<16xi32>
    %swap3A_43 = arith.constant 16 : index
    %swap3A_44 = tpu.vector_load %arg6[%swap3A_43] {strides = array<i32>} : memref<512xi32, #tpu.memory_space<vmem>>, vector<16xi32>,
    %swap3A_45 = vector.shape_cast %swap3A_44 : vector<16xi32> to vector<16xi32>
    %swap3A_46 = vector.shape_cast %add3A_42 : vector<16xi32> to vector<16xi32>
    tpu.vector_store %arg6[%swap3A_43], %swap3A_46 {strides = array<i32>} : memref<512xi32, #tpu.memory_space<vmem>>, vector<16xi32>,
    %get3A_47 = arith.constant 32 : index
    %get3A_48 = tpu.vector_load %arg5[%get3A_47] {strides = array<i32>} : memref<512xi32, #tpu.memory_space<vmem>>, vector<16xi32>,
    %get3A_49 = vector.shape_cast %get3A_48 : vector<16xi32> to vector<16xi32>
    %and3A_50 = arith.constant 511 : i32
    %and3A_51 = vector.broadcast %and3A_50 : i32 to vector<16xi32>
    %and3A_52 = arith.andi %get3A_49, %and3A_51 : vector<16xi32>
    %sub3A_53 = arith.subi %get3A_49, %and3A_52 : vector<16xi32>
    %and3A_54 = arith.constant 127 : i32
    %and3A_55 = vector.broadcast %and3A_54 : i32 to vector<16xi32>
    %and3A_56 = arith.andi %get3A_49, %and3A_55 : vector<16xi32>
    %shift_left3A_57 = arith.constant 2 : i32
    %shift_left3A_58 = vector.broadcast %shift_left3A_57 : i32 to vector<16xi32>
    %shift_left3A_59 = arith.shli %and3A_56, %shift_left3A_58 : vector<16xi32>
    %add3A_60 = arith.addi %sub3A_53, %shift_left3A_59 : vector<16xi32>
    %shift_right_arithmetic3A_61 = arith.constant 7 : i32
    %shift_right_arithmetic3A_62 = vector.broadcast %shift_right_arithmetic3A_61 : i32 to vector<16xi32>
    %shift_right_arithmetic3A_63 = arith.shrsi %get3A_49, %shift_right_arithmetic3A_62 : vector<16xi32>
    %and3A_64 = arith.constant 3 : i32
    %and3A_65 = vector.broadcast %and3A_64 : i32 to vector<16xi32>
    %and3A_66 = arith.andi %shift_right_arithmetic3A_63, %and3A_65 : vector<16xi32>
    %add3A_67 = arith.addi %add3A_60, %and3A_66 : vector<16xi32>
    %swap3A_68 = arith.constant 32 : index
    %swap3A_69 = tpu.vector_load %arg6[%swap3A_68] {strides = array<i32>} : memref<512xi32, #tpu.memory_space<vmem>>, vector<16xi32>,
    %swap3A_70 = vector.shape_cast %swap3A_69 : vector<16xi32> to vector<16xi32>
    %swap3A_71 = vector.shape_cast %add3A_67 : vector<16xi32> to vector<16xi32>
    tpu.vector_store %arg6[%swap3A_68], %swap3A_71 {strides = array<i32>} : memref<512xi32, #tpu.memory_space<vmem>>, vector<16xi32>,
    %get3A_72 = arith.constant 48 : index
    %get3A_73 = tpu.vector_load %arg5[%get3A_72] {strides = array<i32>} : memref<512xi32, #tpu.memory_space<vmem>>, vector<16xi32>,
    %get3A_74 = vector.shape_cast %get3A_73 : vector<16xi32> to vector<16xi32>
    %and3A_75 = arith.constant 511 : i32
    %and3A_76 = vector.broadcast %and3A_75 : i32 to vector<16xi32>
    %and3A_77 = arith.andi %get3A_74, %and3A_76 : vector<16xi32>
    %sub3A_78 = arith.subi %get3A_74, %and3A_77 : vector<16xi32>
    %and3A_79 = arith.constant 127 : i32
    %and3A_80 = vector.broadcast %and3A_79 : i32 to vector<16xi32>
    %and3A_81 = arith.andi %get3A_74, %and3A_80 : vector<16xi32>
    %shift_left3A_82 = arith.constant 2 : i32
    %shift_left3A_83 = vector.broadcast %shift_left3A_82 : i32 to vector<16xi32>
    %shift_left3A_84 = arith.shli %and3A_81, %shift_left3A_83 : vector<16xi32>
    %add3A_85 = arith.addi %sub3A_78, %shift_left3A_84 : vector<16xi32>
    %shift_right_arithmetic3A_86 = arith.constant 7 : i32
    %shift_right_arithmetic3A_87 = vector.broadcast %shift_right_arithmetic3A_86 : i32 to vector<16xi32>
    %shift_right_arithmetic3A_88 = arith.shrsi %get3A_74, %shift_right_arithmetic3A_87 : vector<16xi32>
    %and3A_89 = arith.constant 3 : i32
    %and3A_90 = vector.broadcast %and3A_89 : i32 to vector<16xi32>
    %and3A_91 = arith.andi %shift_right_arithmetic3A_88, %and3A_90 : vector<16xi32>
    %add3A_92 = arith.addi %add3A_85, %and3A_91 : vector<16xi32>
    %swap3A_93 = arith.constant 48 : index
    %swap3A_94 = tpu.vector_load %arg6[%swap3A_93] {strides = array<i32>} : memref<512xi32, #tpu.memory_space<vmem>>, vector<16xi32>,
    %swap3A_95 = vector.shape_cast %swap3A_94 : vector<16xi32> to vector<16xi32>
    %swap3A_96 = vector.shape_cast %add3A_92 : vector<16xi32> to vector<16xi32>
    tpu.vector_store %arg6[%swap3A_93], %swap3A_96 {strides = array<i32>} : memref<512xi32, #tpu.memory_space<vmem>>, vector<16xi32>,
    %get3A_97 = arith.constant 64 : index
    %get3A_98 = tpu.vector_load %arg5[%get3A_97] {strides = array<i32>} : memref<512xi32, #tpu.memory_space<vmem>>, vector<16xi32>,
    %get3A_99 = vector.shape_cast %get3A_98 : vector<16xi32> to vector<16xi32>
    %and3A_100 = arith.constant 511 : i32
    %and3A_101 = vector.broadcast %and3A_100 : i32 to vector<16xi32>
    %and3A_102 = arith.andi %get3A_99, %and3A_101 : vector<16xi32>
    %sub3A_103 = arith.subi %get3A_99, %and3A_102 : vector<16xi32>
    %and3A_104 = arith.constant 127 : i32
    %and3A_105 = vector.broadcast %and3A_104 : i32 to vector<16xi32>
    %and3A_106 = arith.andi %get3A_99, %and3A_105 : vector<16xi32>
    %shift_left3A_107 = arith.constant 2 : i32
    %shift_left3A_108 = vector.broadcast %shift_left3A_107 : i32 to vector<16xi32>
    %shift_left3A_109 = arith.shli %and3A_106, %shift_left3A_108 : vector<16xi32>
    %add3A_110 = arith.addi %sub3A_103, %shift_left3A_109 : vector<16xi32>
    %shift_right_arithmetic3A_111 = arith.constant 7 : i32
    %shift_right_arithmetic3A_112 = vector.broadcast %shift_right_arithmetic3A_111 : i32 to vector<16xi32>
    %shift_right_arithmetic3A_113 = arith.shrsi %get3A_99, %shift_right_arithmetic3A_112 : vector<16xi32>
    %and3A_114 = arith.constant 3 : i32
    %and3A_115 = vector.broadcast %and3A_114 : i32 to vector<16xi32>
    %and3A_116 = arith.andi %shift_right_arithmetic3A_113, %and3A_115 : vector<16xi32>
    %add3A_117 = arith.addi %add3A_110, %and3A_116 : vector<16xi32>
    %swap3A_118 = arith.constant 64 : index
    %swap3A_119 = tpu.vector_load %arg6[%swap3A_118] {strides = array<i32>} : memref<512xi32, #tpu.memory_space<vmem>>, vector<16xi32>,
    %swap3A_120 = vector.shape_cast %swap3A_119 : vector<16xi32> to vector<16xi32>
    %swap3A_121 = vector.shape_cast %add3A_117 : vector<16xi32> to vector<16xi32>
    tpu.vector_store %arg6[%swap3A_118], %swap3A_121 {strides = array<i32>} : memref<512xi32, #tpu.memory_space<vmem>>, vector<16xi32>,
    %get3A_122 = arith.constant 80 : index
    %get3A_123 = tpu.vector_load %arg5[%get3A_122] {strides = array<i32>} : memref<512xi32, #tpu.memory_space<vmem>>, vector<16xi32>,
    %get3A_124 = vector.shape_cast %get3A_123 : vector<16xi32> to vector<16xi32>
    %and3A_125 = arith.constant 511 : i32
    %and3A_126 = vector.broadcast %and3A_125 : i32 to vector<16xi32>
    %and3A_127 = arith.andi %get3A_124, %and3A_126 : vector<16xi32>
    %sub3A_128 = arith.subi %get3A_124, %and3A_127 : vector<16xi32>
    %and3A_129 = arith.constant 127 : i32
    %and3A_130 = vector.broadcast %and3A_129 : i32 to vector<16xi32>
    %and3A_131 = arith.andi %get3A_124, %and3A_130 : vector<16xi32>
    %shift_left3A_132 = arith.constant 2 : i32
    %shift_left3A_133 = vector.broadcast %shift_left3A_132 : i32 to vector<16xi32>
    %shift_left3A_134 = arith.shli %and3A_131, %shift_left3A_133 : vector<16xi32>
    %add3A_135 = arith.addi %sub3A_128, %shift_left3A_134 : vector<16xi32>
    %shift_right_arithmetic3A_136 = arith.constant 7 : i32
    %shift_right_arithmetic3A_137 = vector.broadcast %shift_right_arithmetic3A_136 : i32 to vector<16xi32>
    %shift_right_arithmetic3A_138 = arith.shrsi %get3A_124, %shift_right_arithmetic3A_137 : vector<16xi32>
    %and3A_139 = arith.constant 3 : i32
    %and3A_140 = vector.broadcast %and3A_139 : i32 to vector<16xi32>
    %and3A_141 = arith.andi %shift_right_arithmetic3A_138, %and3A_140 : vector<16xi32>
    %add3A_142 = arith.addi %add3A_135, %and3A_141 : vector<16xi32>
    %swap3A_143 = arith.constant 80 : index
    %swap3A_144 = tpu.vector_load %arg6[%swap3A_143] {strides = array<i32>} : memref<512xi32, #tpu.memory_space<vmem>>, vector<16xi32>,
    %swap3A_145 = vector.shape_cast %swap3A_144 : vector<16xi32> to vector<16xi32>
    %swap3A_146 = vector.shape_cast %add3A_142 : vector<16xi32> to vector<16xi32>
    tpu.vector_store %arg6[%swap3A_143], %swap3A_146 {strides = array<i32>} : memref<512xi32, #tpu.memory_space<vmem>>, vector<16xi32>,
    %get3A_147 = arith.constant 96 : index
    %get3A_148 = tpu.vector_load %arg5[%get3A_147] {strides = array<i32>} : memref<512xi32, #tpu.memory_space<vmem>>, vector<16xi32>,
    %get3A_149 = vector.shape_cast %get3A_148 : vector<16xi32> to vector<16xi32>
    %and3A_150 = arith.constant 511 : i32
    %and3A_151 = vector.broadcast %and3A_150 : i32 to vector<16xi32>
    %and3A_152 = arith.andi %get3A_149, %and3A_151 : vector<16xi32>
    %sub3A_153 = arith.subi %get3A_149, %and3A_152 : vector<16xi32>
    %and3A_154 = arith.constant 127 : i32
    %and3A_155 = vector.broadcast %and3A_154 : i32 to vector<16xi32>
    %and3A_156 = arith.andi %get3A_149, %and3A_155 : vector<16xi32>
    %shift_left3A_157 = arith.constant 2 : i32
    %shift_left3A_158 = vector.broadcast %shift_left3A_157 : i32 to vector<16xi32>
    %shift_left3A_159 = arith.shli %and3A_156, %shift_left3A_158 : vector<16xi32>
    %add3A_160 = arith.addi %sub3A_153, %shift_left3A_159 : vector<16xi32>
    %shift_right_arithmetic3A_161 = arith.constant 7 : i32
    %shift_right_arithmetic3A_162 = vector.broadcast %shift_right_arithmetic3A_161 : i32 to vector<16xi32>
    %shift_right_arithmetic3A_163 = arith.shrsi %get3A_149, %shift_right_arithmetic3A_162 : vector<16xi32>
    %and3A_164 = arith.constant 3 : i32
    %and3A_165 = vector.broadcast %and3A_164 : i32 to vector<16xi32>
    %and3A_166 = arith.andi %shift_right_arithmetic3A_163, %and3A_165 : vector<16xi32>
    %add3A_167 = arith.addi %add3A_160, %and3A_166 : vector<16xi32>
    %swap3A_168 = arith.constant 96 : index
    %swap3A_169 = tpu.vector_load %arg6[%swap3A_168] {strides = array<i32>} : memref<512xi32, #tpu.memory_space<vmem>>, vector<16xi32>,
    %swap3A_170 = vector.shape_cast %swap3A_169 : vector<16xi32> to vector<16xi32>
    %swap3A_171 = vector.shape_cast %add3A_167 : vector<16xi32> to vector<16xi32>
    tpu.vector_store %arg6[%swap3A_168], %swap3A_171 {strides = array<i32>} : memref<512xi32, #tpu.memory_space<vmem>>, vector<16xi32>,
    %get3A_172 = arith.constant 112 : index
    %get3A_173 = tpu.vector_load %arg5[%get3A_172] {strides = array<i32>} : memref<512xi32, #tpu.memory_space<vmem>>, vector<16xi32>,
    %get3A_174 = vector.shape_cast %get3A_173 : vector<16xi32> to vector<16xi32>
    %and3A_175 = arith.constant 511 : i32
    %and3A_176 = vector.broadcast %and3A_175 : i32 to vector<16xi32>
    %and3A_177 = arith.andi %get3A_174, %and3A_176 : vector<16xi32>
    %sub3A_178 = arith.subi %get3A_174, %and3A_177 : vector<16xi32>
    %and3A_179 = arith.constant 127 : i32
    %and3A_180 = vector.broadcast %and3A_179 : i32 to vector<16xi32>
    %and3A_181 = arith.andi %get3A_174, %and3A_180 : vector<16xi32>
    %shift_left3A_182 = arith.constant 2 : i32
    %shift_left3A_183 = vector.broadcast %shift_left3A_182 : i32 to vector<16xi32>
    %shift_left3A_184 = arith.shli %and3A_181, %shift_left3A_183 : vector<16xi32>
    %add3A_185 = arith.addi %sub3A_178, %shift_left3A_184 : vector<16xi32>
    %shift_right_arithmetic3A_186 = arith.constant 7 : i32
    %shift_right_arithmetic3A_187 = vector.broadcast %shift_right_arithmetic3A_186 : i32 to vector<16xi32>
    %shift_right_arithmetic3A_188 = arith.shrsi %get3A_174, %shift_right_arithmetic3A_187 : vector<16xi32>
    %and3A_189 = arith.constant 3 : i32
    %and3A_190 = vector.broadcast %and3A_189 : i32 to vector<16xi32>
    %and3A_191 = arith.andi %shift_right_arithmetic3A_188, %and3A_190 : vector<16xi32>
    %add3A_192 = arith.addi %add3A_185, %and3A_191 : vector<16xi32>
    %swap3A_193 = arith.constant 112 : index
    %swap3A_194 = tpu.vector_load %arg6[%swap3A_193] {strides = array<i32>} : memref<512xi32, #tpu.memory_space<vmem>>, vector<16xi32>,
    %swap3A_195 = vector.shape_cast %swap3A_194 : vector<16xi32> to vector<16xi32>
    %swap3A_196 = vector.shape_cast %add3A_192 : vector<16xi32> to vector<16xi32>
    tpu.vector_store %arg6[%swap3A_193], %swap3A_196 {strides = array<i32>} : memref<512xi32, #tpu.memory_space<vmem>>, vector<16xi32>,
    %get3A_197 = arith.constant 128 : index
    %get3A_198 = tpu.vector_load %arg5[%get3A_197] {strides = array<i32>} : memref<512xi32, #tpu.memory_space<vmem>>, vector<16xi32>,
    %get3A_199 = vector.shape_cast %get3A_198 : vector<16xi32> to vector<16xi32>
    %and3A_200 = arith.constant 511 : i32
    %and3A_201 = vector.broadcast %and3A_200 : i32 to vector<16xi32>
    %and3A_202 = arith.andi %get3A_199, %and3A_201 : vector<16xi32>
    %sub3A_203 = arith.subi %get3A_199, %and3A_202 : vector<16xi32>
    %and3A_204 = arith.constant 127 : i32
    %and3A_205 = vector.broadcast %and3A_204 : i32 to vector<16xi32>
    %and3A_206 = arith.andi %get3A_199, %and3A_205 : vector<16xi32>
    %shift_left3A_207 = arith.constant 2 : i32
    %shift_left3A_208 = vector.broadcast %shift_left3A_207 : i32 to vector<16xi32>
    %shift_left3A_209 = arith.shli %and3A_206, %shift_left3A_208 : vector<16xi32>
    %add3A_210 = arith.addi %sub3A_203, %shift_left3A_209 : vector<16xi32>
    %shift_right_arithmetic3A_211 = arith.constant 7 : i32
    %shift_right_arithmetic3A_212 = vector.broadcast %shift_right_arithmetic3A_211 : i32 to vector<16xi32>
    %shift_right_arithmetic3A_213 = arith.shrsi %get3A_199, %shift_right_arithmetic3A_212 : vector<16xi32>
    %and3A_214 = arith.constant 3 : i32
    %and3A_215 = vector.broadcast %and3A_214 : i32 to vector<16xi32>
    %and3A_216 = arith.andi %shift_right_arithmetic3A_213, %and3A_215 : vector<16xi32>
    %add3A_217 = arith.addi %add3A_210, %and3A_216 : vector<16xi32>
    %swap3A_218 = arith.constant 128 : index
    %swap3A_219 = tpu.vector_load %arg6[%swap3A_218] {strides = array<i32>} : memref<512xi32, #tpu.memory_space<vmem>>, vector<16xi32>,
    %swap3A_220 = vector.shape_cast %swap3A_219 : vector<16xi32> to vector<16xi32>
    %swap3A_221 = vector.shape_cast %add3A_217 : vector<16xi32> to vector<16xi32>
    tpu.vector_store %arg6[%swap3A_218], %swap3A_221 {strides = array<i32>} : memref<512xi32, #tpu.memory_space<vmem>>, vector<16xi32>,
    %get3A_222 = arith.constant 144 : index
    %get3A_223 = tpu.vector_load %arg5[%get3A_222] {strides = array<i32>} : memref<512xi32, #tpu.memory_space<vmem>>, vector<16xi32>,
    %get3A_224 = vector.shape_cast %get3A_223 : vector<16xi32> to vector<16xi32>
    %and3A_225 = arith.constant 511 : i32
    %and3A_226 = vector.broadcast %and3A_225 : i32 to vector<16xi32>
    %and3A_227 = arith.andi %get3A_224, %and3A_226 : vector<16xi32>
    %sub3A_228 = arith.subi %get3A_224, %and3A_227 : vector<16xi32>
    %and3A_229 = arith.constant 127 : i32
    %and3A_230 = vector.broadcast %and3A_229 : i32 to vector<16xi32>
    %and3A_231 = arith.andi %get3A_224, %and3A_230 : vector<16xi32>
    %shift_left3A_232 = arith.constant 2 : i32
    %shift_left3A_233 = vector.broadcast %shift_left3A_232 : i32 to vector<16xi32>
    %shift_left3A_234 = arith.shli %and3A_231, %shift_left3A_233 : vector<16xi32>
    %add3A_235 = arith.addi %sub3A_228, %shift_left3A_234 : vector<16xi32>
    %shift_right_arithmetic3A_236 = arith.constant 7 : i32
    %shift_right_arithmetic3A_237 = vector.broadcast %shift_right_arithmetic3A_236 : i32 to vector<16xi32>
    %shift_right_arithmetic3A_238 = arith.shrsi %get3A_224, %shift_right_arithmetic3A_237 : vector<16xi32>
    %and3A_239 = arith.constant 3 : i32
    %and3A_240 = vector.broadcast %and3A_239 : i32 to vector<16xi32>
    %and3A_241 = arith.andi %shift_right_arithmetic3A_238, %and3A_240 : vector<16xi32>
    %add3A_242 = arith.addi %add3A_235, %and3A_241 : vector<16xi32>
    %swap3A_243 = arith.constant 144 : index
    %swap3A_244 = tpu.vector_load %arg6[%swap3A_243] {strides = array<i32>} : memref<512xi32, #tpu.memory_space<vmem>>, vector<16xi32>,
    %swap3A_245 = vector.shape_cast %swap3A_244 : vector<16xi32> to vector<16xi32>
    %swap3A_246 = vector.shape_cast %add3A_242 : vector<16xi32> to vector<16xi32>
    tpu.vector_store %arg6[%swap3A_243], %swap3A_246 {strides = array<i32>} : memref<512xi32, #tpu.memory_space<vmem>>, vector<16xi32>,
    %get3A_247 = arith.constant 160 : index
    %get3A_248 = tpu.vector_load %arg5[%get3A_247] {strides = array<i32>} : memref<512xi32, #tpu.memory_space<vmem>>, vector<16xi32>,
    %get3A_249 = vector.shape_cast %get3A_248 : vector<16xi32> to vector<16xi32>
    %and3A_250 = arith.constant 511 : i32
    %and3A_251 = vector.broadcast %and3A_250 : i32 to vector<16xi32>
    %and3A_252 = arith.andi %get3A_249, %and3A_251 : vector<16xi32>
    %sub3A_253 = arith.subi %get3A_249, %and3A_252 : vector<16xi32>
    %and3A_254 = arith.constant 127 : i32
    %and3A_255 = vector.broadcast %and3A_254 : i32 to vector<16xi32>
    %and3A_256 = arith.andi %get3A_249, %and3A_255 : vector<16xi32>
    %shift_left3A_257 = arith.constant 2 : i32
    %shift_left3A_258 = vector.broadcast %shift_left3A_257 : i32 to vector<16xi32>
    %shift_left3A_259 = arith.shli %and3A_256, %shift_left3A_258 : vector<16xi32>
    %add3A_260 = arith.addi %sub3A_253, %shift_left3A_259 : vector<16xi32>
    %shift_right_arithmetic3A_261 = arith.constant 7 : i32
    %shift_right_arithmetic3A_262 = vector.broadcast %shift_right_arithmetic3A_261 : i32 to vector<16xi32>
    %shift_right_arithmetic3A_263 = arith.shrsi %get3A_249, %shift_right_arithmetic3A_262 : vector<16xi32>
    %and3A_264 = arith.constant 3 : i32
    %and3A_265 = vector.broadcast %and3A_264 : i32 to vector<16xi32>
    %and3A_266 = arith.andi %shift_right_arithmetic3A_263, %and3A_265 : vector<16xi32>
    %add3A_267 = arith.addi %add3A_260, %and3A_266 : vector<16xi32>
    %swap3A_268 = arith.constant 160 : index
    %swap3A_269 = tpu.vector_load %arg6[%swap3A_268] {strides = array<i32>} : memref<512xi32, #tpu.memory_space<vmem>>, vector<16xi32>,
    %swap3A_270 = vector.shape_cast %swap3A_269 : vector<16xi32> to vector<16xi32>
    %swap3A_271 = vector.shape_cast %add3A_267 : vector<16xi32> to vector<16xi32>
    tpu.vector_store %arg6[%swap3A_268], %swap3A_271 {strides = array<i32>} : memref<512xi32, #tpu.memory_space<vmem>>, vector<16xi32>,
    %get3A_272 = arith.constant 176 : index
    %get3A_273 = tpu.vector_load %arg5[%get3A_272] {strides = array<i32>} : memref<512xi32, #tpu.memory_space<vmem>>, vector<16xi32>,
    %get3A_274 = vector.shape_cast %get3A_273 : vector<16xi32> to vector<16xi32>
    %and3A_275 = arith.constant 511 : i32
    %and3A_276 = vector.broadcast %and3A_275 : i32 to vector<16xi32>
    %and3A_277 = arith.andi %get3A_274, %and3A_276 : vector<16xi32>
    %sub3A_278 = arith.subi %get3A_274, %and3A_277 : vector<16xi32>
    %and3A_279 = arith.constant 127 : i32
    %and3A_280 = vector.broadcast %and3A_279 : i32 to vector<16xi32>
    %and3A_281 = arith.andi %get3A_274, %and3A_280 : vector<16xi32>
    %shift_left3A_282 = arith.constant 2 : i32
    %shift_left3A_283 = vector.broadcast %shift_left3A_282 : i32 to vector<16xi32>
    %shift_left3A_284 = arith.shli %and3A_281, %shift_left3A_283 : vector<16xi32>
    %add3A_285 = arith.addi %sub3A_278, %shift_left3A_284 : vector<16xi32>
    %shift_right_arithmetic3A_286 = arith.constant 7 : i32
    %shift_right_arithmetic3A_287 = vector.broadcast %shift_right_arithmetic3A_286 : i32 to vector<16xi32>
    %shift_right_arithmetic3A_288 = arith.shrsi %get3A_274, %shift_right_arithmetic3A_287 : vector<16xi32>
    %and3A_289 = arith.constant 3 : i32
    %and3A_290 = vector.broadcast %and3A_289 : i32 to vector<16xi32>
    %and3A_291 = arith.andi %shift_right_arithmetic3A_288, %and3A_290 : vector<16xi32>
    %add3A_292 = arith.addi %add3A_285, %and3A_291 : vector<16xi32>
    %swap3A_293 = arith.constant 176 : index
    %swap3A_294 = tpu.vector_load %arg6[%swap3A_293] {strides = array<i32>} : memref<512xi32, #tpu.memory_space<vmem>>, vector<16xi32>,
    %swap3A_295 = vector.shape_cast %swap3A_294 : vector<16xi32> to vector<16xi32>
    %swap3A_296 = vector.shape_cast %add3A_292 : vector<16xi32> to vector<16xi32>
    tpu.vector_store %arg6[%swap3A_293], %swap3A_296 {strides = array<i32>} : memref<512xi32, #tpu.memory_space<vmem>>, vector<16xi32>,
    %get3A_297 = arith.constant 192 : index
    %get3A_298 = tpu.vector_load %arg5[%get3A_297] {strides = array<i32>} : memref<512xi32, #tpu.memory_space<vmem>>, vector<16xi32>,
    %get3A_299 = vector.shape_cast %get3A_298 : vector<16xi32> to vector<16xi32>
    %and3A_300 = arith.constant 511 : i32
    %and3A_301 = vector.broadcast %and3A_300 : i32 to vector<16xi32>
    %and3A_302 = arith.andi %get3A_299, %and3A_301 : vector<16xi32>
    %sub3A_303 = arith.subi %get3A_299, %and3A_302 : vector<16xi32>
    %and3A_304 = arith.constant 127 : i32
    %and3A_305 = vector.broadcast %and3A_304 : i32 to vector<16xi32>
    %and3A_306 = arith.andi %get3A_299, %and3A_305 : vector<16xi32>
    %shift_left3A_307 = arith.constant 2 : i32
    %shift_left3A_308 = vector.broadcast %shift_left3A_307 : i32 to vector<16xi32>
    %shift_left3A_309 = arith.shli %and3A_306, %shift_left3A_308 : vector<16xi32>
    %add3A_310 = arith.addi %sub3A_303, %shift_left3A_309 : vector<16xi32>
    %shift_right_arithmetic3A_311 = arith.constant 7 : i32
    %shift_right_arithmetic3A_312 = vector.broadcast %shift_right_arithmetic3A_311 : i32 to vector<16xi32>
    %shift_right_arithmetic3A_313 = arith.shrsi %get3A_299, %shift_right_arithmetic3A_312 : vector<16xi32>
    %and3A_314 = arith.constant 3 : i32
    %and3A_315 = vector.broadcast %and3A_314 : i32 to vector<16xi32>
    %and3A_316 = arith.andi %shift_right_arithmetic3A_313, %and3A_315 : vector<16xi32>
    %add3A_317 = arith.addi %add3A_310, %and3A_316 : vector<16xi32>
    %swap3A_318 = arith.constant 192 : index
    %swap3A_319 = tpu.vector_load %arg6[%swap3A_318] {strides = array<i32>} : memref<512xi32, #tpu.memory_space<vmem>>, vector<16xi32>,
    %swap3A_320 = vector.shape_cast %swap3A_319 : vector<16xi32> to vector<16xi32>
    %swap3A_321 = vector.shape_cast %add3A_317 : vector<16xi32> to vector<16xi32>
    tpu.vector_store %arg6[%swap3A_318], %swap3A_321 {strides = array<i32>} : memref<512xi32, #tpu.memory_space<vmem>>, vector<16xi32>,
    %get3A_322 = arith.constant 208 : index
    %get3A_323 = tpu.vector_load %arg5[%get3A_322] {strides = array<i32>} : memref<512xi32, #tpu.memory_space<vmem>>, vector<16xi32>,
    %get3A_324 = vector.shape_cast %get3A_323 : vector<16xi32> to vector<16xi32>
    %and3A_325 = arith.constant 511 : i32
    %and3A_326 = vector.broadcast %and3A_325 : i32 to vector<16xi32>
    %and3A_327 = arith.andi %get3A_324, %and3A_326 : vector<16xi32>
    %sub3A_328 = arith.subi %get3A_324, %and3A_327 : vector<16xi32>
    %and3A_329 = arith.constant 127 : i32
    %and3A_330 = vector.broadcast %and3A_329 : i32 to vector<16xi32>
    %and3A_331 = arith.andi %get3A_324, %and3A_330 : vector<16xi32>
    %shift_left3A_332 = arith.constant 2 : i32
    %shift_left3A_333 = vector.broadcast %shift_left3A_332 : i32 to vector<16xi32>
    %shift_left3A_334 = arith.shli %and3A_331, %shift_left3A_333 : vector<16xi32>
    %add3A_335 = arith.addi %sub3A_328, %shift_left3A_334 : vector<16xi32>
    %shift_right_arithmetic3A_336 = arith.constant 7 : i32
    %shift_right_arithmetic3A_337 = vector.broadcast %shift_right_arithmetic3A_336 : i32 to vector<16xi32>
    %shift_right_arithmetic3A_338 = arith.shrsi %get3A_324, %shift_right_arithmetic3A_337 : vector<16xi32>
    %and3A_339 = arith.constant 3 : i32
    %and3A_340 = vector.broadcast %and3A_339 : i32 to vector<16xi32>
    %and3A_341 = arith.andi %shift_right_arithmetic3A_338, %and3A_340 : vector<16xi32>
    %add3A_342 = arith.addi %add3A_335, %and3A_341 : vector<16xi32>
    %swap3A_343 = arith.constant 208 : index
    %swap3A_344 = tpu.vector_load %arg6[%swap3A_343] {strides = array<i32>} : memref<512xi32, #tpu.memory_space<vmem>>, vector<16xi32>,
    %swap3A_345 = vector.shape_cast %swap3A_344 : vector<16xi32> to vector<16xi32>
    %swap3A_346 = vector.shape_cast %add3A_342 : vector<16xi32> to vector<16xi32>
    tpu.vector_store %arg6[%swap3A_343], %swap3A_346 {strides = array<i32>} : memref<512xi32, #tpu.memory_space<vmem>>, vector<16xi32>,
    %get3A_347 = arith.constant 224 : index
    %get3A_348 = tpu.vector_load %arg5[%get3A_347] {strides = array<i32>} : memref<512xi32, #tpu.memory_space<vmem>>, vector<16xi32>,
    %get3A_349 = vector.shape_cast %get3A_348 : vector<16xi32> to vector<16xi32>
    %and3A_350 = arith.constant 511 : i32
    %and3A_351 = vector.broadcast %and3A_350 : i32 to vector<16xi32>
    %and3A_352 = arith.andi %get3A_349, %and3A_351 : vector<16xi32>
    %sub3A_353 = arith.subi %get3A_349, %and3A_352 : vector<16xi32>
    %and3A_354 = arith.constant 127 : i32
    %and3A_355 = vector.broadcast %and3A_354 : i32 to vector<16xi32>
    %and3A_356 = arith.andi %get3A_349, %and3A_355 : vector<16xi32>
    %shift_left3A_357 = arith.constant 2 : i32
    %shift_left3A_358 = vector.broadcast %shift_left3A_357 : i32 to vector<16xi32>
    %shift_left3A_359 = arith.shli %and3A_356, %shift_left3A_358 : vector<16xi32>
    %add3A_360 = arith.addi %sub3A_353, %shift_left3A_359 : vector<16xi32>
    %shift_right_arithmetic3A_361 = arith.constant 7 : i32
    %shift_right_arithmetic3A_362 = vector.broadcast %shift_right_arithmetic3A_361 : i32 to vector<16xi32>
    %shift_right_arithmetic3A_363 = arith.shrsi %get3A_349, %shift_right_arithmetic3A_362 : vector<16xi32>
    %and3A_364 = arith.constant 3 : i32
    %and3A_365 = vector.broadcast %and3A_364 : i32 to vector<16xi32>
    %and3A_366 = arith.andi %shift_right_arithmetic3A_363, %and3A_365 : vector<16xi32>
    %add3A_367 = arith.addi %add3A_360, %and3A_366 : vector<16xi32>
    %swap3A_368 = arith.constant 224 : index
    %swap3A_369 = tpu.vector_load %arg6[%swap3A_368] {strides = array<i32>} : memref<512xi32, #tpu.memory_space<vmem>>, vector<16xi32>,
    %swap3A_370 = vector.shape_cast %swap3A_369 : vector<16xi32> to vector<16xi32>
    %swap3A_371 = vector.shape_cast %add3A_367 : vector<16xi32> to vector<16xi32>
    tpu.vector_store %arg6[%swap3A_368], %swap3A_371 {strides = array<i32>} : memref<512xi32, #tpu.memory_space<vmem>>, vector<16xi32>,
    %get3A_372 = arith.constant 240 : index
    %get3A_373 = tpu.vector_load %arg5[%get3A_372] {strides = array<i32>} : memref<512xi32, #tpu.memory_space<vmem>>, vector<16xi32>,
    %get3A_374 = vector.shape_cast %get3A_373 : vector<16xi32> to vector<16xi32>
    %and3A_375 = arith.constant 511 : i32
    %and3A_376 = vector.broadcast %and3A_375 : i32 to vector<16xi32>
    %and3A_377 = arith.andi %get3A_374, %and3A_376 : vector<16xi32>
    %sub3A_378 = arith.subi %get3A_374, %and3A_377 : vector<16xi32>
    %and3A_379 = arith.constant 127 : i32
    %and3A_380 = vector.broadcast %and3A_379 : i32 to vector<16xi32>
    %and3A_381 = arith.andi %get3A_374, %and3A_380 : vector<16xi32>
    %shift_left3A_382 = arith.constant 2 : i32
    %shift_left3A_383 = vector.broadcast %shift_left3A_382 : i32 to vector<16xi32>
    %shift_left3A_384 = arith.shli %and3A_381, %shift_left3A_383 : vector<16xi32>
    %add3A_385 = arith.addi %sub3A_378, %shift_left3A_384 : vector<16xi32>
    %shift_right_arithmetic3A_386 = arith.constant 7 : i32
    %shift_right_arithmetic3A_387 = vector.broadcast %shift_right_arithmetic3A_386 : i32 to vector<16xi32>
    %shift_right_arithmetic3A_388 = arith.shrsi %get3A_374, %shift_right_arithmetic3A_387 : vector<16xi32>
    %and3A_389 = arith.constant 3 : i32
    %and3A_390 = vector.broadcast %and3A_389 : i32 to vector<16xi32>
    %and3A_391 = arith.andi %shift_right_arithmetic3A_388, %and3A_390 : vector<16xi32>
    %add3A_392 = arith.addi %add3A_385, %and3A_391 : vector<16xi32>
    %swap3A_393 = arith.constant 240 : index
    %swap3A_394 = tpu.vector_load %arg6[%swap3A_393] {strides = array<i32>} : memref<512xi32, #tpu.memory_space<vmem>>, vector<16xi32>,
    %swap3A_395 = vector.shape_cast %swap3A_394 : vector<16xi32> to vector<16xi32>
    %swap3A_396 = vector.shape_cast %add3A_392 : vector<16xi32> to vector<16xi32>
    tpu.vector_store %arg6[%swap3A_393], %swap3A_396 {strides = array<i32>} : memref<512xi32, #tpu.memory_space<vmem>>, vector<16xi32>,
    %get3A_397 = arith.constant 256 : index
    %get3A_398 = tpu.vector_load %arg5[%get3A_397] {strides = array<i32>} : memref<512xi32, #tpu.memory_space<vmem>>, vector<16xi32>,
    %get3A_399 = vector.shape_cast %get3A_398 : vector<16xi32> to vector<16xi32>
    %and3A_400 = arith.constant 511 : i32
    %and3A_401 = vector.broadcast %and3A_400 : i32 to vector<16xi32>
    %and3A_402 = arith.andi %get3A_399, %and3A_401 : vector<16xi32>
    %sub3A_403 = arith.subi %get3A_399, %and3A_402 : vector<16xi32>
    %and3A_404 = arith.constant 127 : i32
    %and3A_405 = vector.broadcast %and3A_404 : i32 to vector<16xi32>
    %and3A_406 = arith.andi %get3A_399, %and3A_405 : vector<16xi32>
    %shift_left3A_407 = arith.constant 2 : i32
    %shift_left3A_408 = vector.broadcast %shift_left3A_407 : i32 to vector<16xi32>
    %shift_left3A_409 = arith.shli %and3A_406, %shift_left3A_408 : vector<16xi32>
    %add3A_410 = arith.addi %sub3A_403, %shift_left3A_409 : vector<16xi32>
    %shift_right_arithmetic3A_411 = arith.constant 7 : i32
    %shift_right_arithmetic3A_412 = vector.broadcast %shift_right_arithmetic3A_411 : i32 to vector<16xi32>
    %shift_right_arithmetic3A_413 = arith.shrsi %get3A_399, %shift_right_arithmetic3A_412 : vector<16xi32>
    %and3A_414 = arith.constant 3 : i32
    %and3A_415 = vector.broadcast %and3A_414 : i32 to vector<16xi32>
    %and3A_416 = arith.andi %shift_right_arithmetic3A_413, %and3A_415 : vector<16xi32>
    %add3A_417 = arith.addi %add3A_410, %and3A_416 : vector<16xi32>
    %swap3A_418 = arith.constant 256 : index
    %swap3A_419 = tpu.vector_load %arg6[%swap3A_418] {strides = array<i32>} : memref<512xi32, #tpu.memory_space<vmem>>, vector<16xi32>,
    %swap3A_420 = vector.shape_cast %swap3A_419 : vector<16xi32> to vector<16xi32>
    %swap3A_421 = vector.shape_cast %add3A_417 : vector<16xi32> to vector<16xi32>
    tpu.vector_store %arg6[%swap3A_418], %swap3A_421 {strides = array<i32>} : memref<512xi32, #tpu.memory_space<vmem>>, vector<16xi32>,
    %get3A_422 = arith.constant 272 : index
    %get3A_423 = tpu.vector_load %arg5[%get3A_422] {strides = array<i32>} : memref<512xi32, #tpu.memory_space<vmem>>, vector<16xi32>,
    %get3A_424 = vector.shape_cast %get3A_423 : vector<16xi32> to vector<16xi32>
    %and3A_425 = arith.constant 511 : i32
    %and3A_426 = vector.broadcast %and3A_425 : i32 to vector<16xi32>
    %and3A_427 = arith.andi %get3A_424, %and3A_426 : vector<16xi32>
    %sub3A_428 = arith.subi %get3A_424, %and3A_427 : vector<16xi32>
    %and3A_429 = arith.constant 127 : i32
    %and3A_430 = vector.broadcast %and3A_429 : i32 to vector<16xi32>
    %and3A_431 = arith.andi %get3A_424, %and3A_430 : vector<16xi32>
    %shift_left3A_432 = arith.constant 2 : i32
    %shift_left3A_433 = vector.broadcast %shift_left3A_432 : i32 to vector<16xi32>
    %shift_left3A_434 = arith.shli %and3A_431, %shift_left3A_433 : vector<16xi32>
    %add3A_435 = arith.addi %sub3A_428, %shift_left3A_434 : vector<16xi32>
    %shift_right_arithmetic3A_436 = arith.constant 7 : i32
    %shift_right_arithmetic3A_437 = vector.broadcast %shift_right_arithmetic3A_436 : i32 to vector<16xi32>
    %shift_right_arithmetic3A_438 = arith.shrsi %get3A_424, %shift_right_arithmetic3A_437 : vector<16xi32>
    %and3A_439 = arith.constant 3 : i32
    %and3A_440 = vector.broadcast %and3A_439 : i32 to vector<16xi32>
    %and3A_441 = arith.andi %shift_right_arithmetic3A_438, %and3A_440 : vector<16xi32>
    %add3A_442 = arith.addi %add3A_435, %and3A_441 : vector<16xi32>
    %swap3A_443 = arith.constant 272 : index
    %swap3A_444 = tpu.vector_load %arg6[%swap3A_443] {strides = array<i32>} : memref<512xi32, #tpu.memory_space<vmem>>, vector<16xi32>,
    %swap3A_445 = vector.shape_cast %swap3A_444 : vector<16xi32> to vector<16xi32>
    %swap3A_446 = vector.shape_cast %add3A_442 : vector<16xi32> to vector<16xi32>
    tpu.vector_store %arg6[%swap3A_443], %swap3A_446 {strides = array<i32>} : memref<512xi32, #tpu.memory_space<vmem>>, vector<16xi32>,
    %get3A_447 = arith.constant 288 : index
    %get3A_448 = tpu.vector_load %arg5[%get3A_447] {strides = array<i32>} : memref<512xi32, #tpu.memory_space<vmem>>, vector<16xi32>,
    %get3A_449 = vector.shape_cast %get3A_448 : vector<16xi32> to vector<16xi32>
    %and3A_450 = arith.constant 511 : i32
    %and3A_451 = vector.broadcast %and3A_450 : i32 to vector<16xi32>
    %and3A_452 = arith.andi %get3A_449, %and3A_451 : vector<16xi32>
    %sub3A_453 = arith.subi %get3A_449, %and3A_452 : vector<16xi32>
    %and3A_454 = arith.constant 127 : i32
    %and3A_455 = vector.broadcast %and3A_454 : i32 to vector<16xi32>
    %and3A_456 = arith.andi %get3A_449, %and3A_455 : vector<16xi32>
    %shift_left3A_457 = arith.constant 2 : i32
    %shift_left3A_458 = vector.broadcast %shift_left3A_457 : i32 to vector<16xi32>
    %shift_left3A_459 = arith.shli %and3A_456, %shift_left3A_458 : vector<16xi32>
    %add3A_460 = arith.addi %sub3A_453, %shift_left3A_459 : vector<16xi32>
    %shift_right_arithmetic3A_461 = arith.constant 7 : i32
    %shift_right_arithmetic3A_462 = vector.broadcast %shift_right_arithmetic3A_461 : i32 to vector<16xi32>
    %shift_right_arithmetic3A_463 = arith.shrsi %get3A_449, %shift_right_arithmetic3A_462 : vector<16xi32>
    %and3A_464 = arith.constant 3 : i32
    %and3A_465 = vector.broadcast %and3A_464 : i32 to vector<16xi32>
    %and3A_466 = arith.andi %shift_right_arithmetic3A_463, %and3A_465 : vector<16xi32>
    %add3A_467 = arith.addi %add3A_460, %and3A_466 : vector<16xi32>
    %swap3A_468 = arith.constant 288 : index
    %swap3A_469 = tpu.vector_load %arg6[%swap3A_468] {strides = array<i32>} : memref<512xi32, #tpu.memory_space<vmem>>, vector<16xi32>,
    %swap3A_470 = vector.shape_cast %swap3A_469 : vector<16xi32> to vector<16xi32>
    %swap3A_471 = vector.shape_cast %add3A_467 : vector<16xi32> to vector<16xi32>
    tpu.vector_store %arg6[%swap3A_468], %swap3A_471 {strides = array<i32>} : memref<512xi32, #tpu.memory_space<vmem>>, vector<16xi32>,
    %get3A_472 = arith.constant 304 : index
    %get3A_473 = tpu.vector_load %arg5[%get3A_472] {strides = array<i32>} : memref<512xi32, #tpu.memory_space<vmem>>, vector<16xi32>,
    %get3A_474 = vector.shape_cast %get3A_473 : vector<16xi32> to vector<16xi32>
    %and3A_475 = arith.constant 511 : i32
    %and3A_476 = vector.broadcast %and3A_475 : i32 to vector<16xi32>
    %and3A_477 = arith.andi %get3A_474, %and3A_476 : vector<16xi32>
    %sub3A_478 = arith.subi %get3A_474, %and3A_477 : vector<16xi32>
    %and3A_479 = arith.constant 127 : i32
    %and3A_480 = vector.broadcast %and3A_479 : i32 to vector<16xi32>
    %and3A_481 = arith.andi %get3A_474, %and3A_480 : vector<16xi32>
    %shift_left3A_482 = arith.constant 2 : i32
    %shift_left3A_483 = vector.broadcast %shift_left3A_482 : i32 to vector<16xi32>
    %shift_left3A_484 = arith.shli %and3A_481, %shift_left3A_483 : vector<16xi32>
    %add3A_485 = arith.addi %sub3A_478, %shift_left3A_484 : vector<16xi32>
    %shift_right_arithmetic3A_486 = arith.constant 7 : i32
    %shift_right_arithmetic3A_487 = vector.broadcast %shift_right_arithmetic3A_486 : i32 to vector<16xi32>
    %shift_right_arithmetic3A_488 = arith.shrsi %get3A_474, %shift_right_arithmetic3A_487 : vector<16xi32>
    %and3A_489 = arith.constant 3 : i32
    %and3A_490 = vector.broadcast %and3A_489 : i32 to vector<16xi32>
    %and3A_491 = arith.andi %shift_right_arithmetic3A_488, %and3A_490 : vector<16xi32>
    %add3A_492 = arith.addi %add3A_485, %and3A_491 : vector<16xi32>
    %swap3A_493 = arith.constant 304 : index
    %swap3A_494 = tpu.vector_load %arg6[%swap3A_493] {strides = array<i32>} : memref<512xi32, #tpu.memory_space<vmem>>, vector<16xi32>,
    %swap3A_495 = vector.shape_cast %swap3A_494 : vector<16xi32> to vector<16xi32>
    %swap3A_496 = vector.shape_cast %add3A_492 : vector<16xi32> to vector<16xi32>
    tpu.vector_store %arg6[%swap3A_493], %swap3A_496 {strides = array<i32>} : memref<512xi32, #tpu.memory_space<vmem>>, vector<16xi32>,
    %get3A_497 = arith.constant 320 : index
    %get3A_498 = tpu.vector_load %arg5[%get3A_497] {strides = array<i32>} : memref<512xi32, #tpu.memory_space<vmem>>, vector<16xi32>,
    %get3A_499 = vector.shape_cast %get3A_498 : vector<16xi32> to vector<16xi32>
    %and3A_500 = arith.constant 511 : i32
    %and3A_501 = vector.broadcast %and3A_500 : i32 to vector<16xi32>
    %and3A_502 = arith.andi %get3A_499, %and3A_501 : vector<16xi32>
    %sub3A_503 = arith.subi %get3A_499, %and3A_502 : vector<16xi32>
    %and3A_504 = arith.constant 127 : i32
    %and3A_505 = vector.broadcast %and3A_504 : i32 to vector<16xi32>
    %and3A_506 = arith.andi %get3A_499, %and3A_505 : vector<16xi32>
    %shift_left3A_507 = arith.constant 2 : i32
    %shift_left3A_508 = vector.broadcast %shift_left3A_507 : i32 to vector<16xi32>
    %shift_left3A_509 = arith.shli %and3A_506, %shift_left3A_508 : vector<16xi32>
    %add3A_510 = arith.addi %sub3A_503, %shift_left3A_509 : vector<16xi32>
    %shift_right_arithmetic3A_511 = arith.constant 7 : i32
    %shift_right_arithmetic3A_512 = vector.broadcast %shift_right_arithmetic3A_511 : i32 to vector<16xi32>
    %shift_right_arithmetic3A_513 = arith.shrsi %get3A_499, %shift_right_arithmetic3A_512 : vector<16xi32>
    %and3A_514 = arith.constant 3 : i32
    %and3A_515 = vector.broadcast %and3A_514 : i32 to vector<16xi32>
    %and3A_516 = arith.andi %shift_right_arithmetic3A_513, %and3A_515 : vector<16xi32>
    %add3A_517 = arith.addi %add3A_510, %and3A_516 : vector<16xi32>
    %swap3A_518 = arith.constant 320 : index
    %swap3A_519 = tpu.vector_load %arg6[%swap3A_518] {strides = array<i32>} : memref<512xi32, #tpu.memory_space<vmem>>, vector<16xi32>,
    %swap3A_520 = vector.shape_cast %swap3A_519 : vector<16xi32> to vector<16xi32>
    %swap3A_521 = vector.shape_cast %add3A_517 : vector<16xi32> to vector<16xi32>
    tpu.vector_store %arg6[%swap3A_518], %swap3A_521 {strides = array<i32>} : memref<512xi32, #tpu.memory_space<vmem>>, vector<16xi32>,
    %get3A_522 = arith.constant 336 : index
    %get3A_523 = tpu.vector_load %arg5[%get3A_522] {strides = array<i32>} : memref<512xi32, #tpu.memory_space<vmem>>, vector<16xi32>,
    %get3A_524 = vector.shape_cast %get3A_523 : vector<16xi32> to vector<16xi32>
    %and3A_525 = arith.constant 511 : i32
    %and3A_526 = vector.broadcast %and3A_525 : i32 to vector<16xi32>
    %and3A_527 = arith.andi %get3A_524, %and3A_526 : vector<16xi32>
    %sub3A_528 = arith.subi %get3A_524, %and3A_527 : vector<16xi32>
    %and3A_529 = arith.constant 127 : i32
    %and3A_530 = vector.broadcast %and3A_529 : i32 to vector<16xi32>
    %and3A_531 = arith.andi %get3A_524, %and3A_530 : vector<16xi32>
    %shift_left3A_532 = arith.constant 2 : i32
    %shift_left3A_533 = vector.broadcast %shift_left3A_532 : i32 to vector<16xi32>
    %shift_left3A_534 = arith.shli %and3A_531, %shift_left3A_533 : vector<16xi32>
    %add3A_535 = arith.addi %sub3A_528, %shift_left3A_534 : vector<16xi32>
    %shift_right_arithmetic3A_536 = arith.constant 7 : i32
    %shift_right_arithmetic3A_537 = vector.broadcast %shift_right_arithmetic3A_536 : i32 to vector<16xi32>
    %shift_right_arithmetic3A_538 = arith.shrsi %get3A_524, %shift_right_arithmetic3A_537 : vector<16xi32>
    %and3A_539 = arith.constant 3 : i32
    %and3A_540 = vector.broadcast %and3A_539 : i32 to vector<16xi32>
    %and3A_541 = arith.andi %shift_right_arithmetic3A_538, %and3A_540 : vector<16xi32>
    %add3A_542 = arith.addi %add3A_535, %and3A_541 : vector<16xi32>
    %swap3A_543 = arith.constant 336 : index
    %swap3A_544 = tpu.vector_load %arg6[%swap3A_543] {strides = array<i32>} : memref<512xi32, #tpu.memory_space<vmem>>, vector<16xi32>,
    %swap3A_545 = vector.shape_cast %swap3A_544 : vector<16xi32> to vector<16xi32>
    %swap3A_546 = vector.shape_cast %add3A_542 : vector<16xi32> to vector<16xi32>
    tpu.vector_store %arg6[%swap3A_543], %swap3A_546 {strides = array<i32>} : memref<512xi32, #tpu.memory_space<vmem>>, vector<16xi32>,
    %get3A_547 = arith.constant 352 : index
    %get3A_548 = tpu.vector_load %arg5[%get3A_547] {strides = array<i32>} : memref<512xi32, #tpu.memory_space<vmem>>, vector<16xi32>,
    %get3A_549 = vector.shape_cast %get3A_548 : vector<16xi32> to vector<16xi32>
    %and3A_550 = arith.constant 511 : i32
    %and3A_551 = vector.broadcast %and3A_550 : i32 to vector<16xi32>
    %and3A_552 = arith.andi %get3A_549, %and3A_551 : vector<16xi32>
    %sub3A_553 = arith.subi %get3A_549, %and3A_552 : vector<16xi32>
    %and3A_554 = arith.constant 127 : i32
    %and3A_555 = vector.broadcast %and3A_554 : i32 to vector<16xi32>
    %and3A_556 = arith.andi %get3A_549, %and3A_555 : vector<16xi32>
    %shift_left3A_557 = arith.constant 2 : i32
    %shift_left3A_558 = vector.broadcast %shift_left3A_557 : i32 to vector<16xi32>
    %shift_left3A_559 = arith.shli %and3A_556, %shift_left3A_558 : vector<16xi32>
    %add3A_560 = arith.addi %sub3A_553, %shift_left3A_559 : vector<16xi32>
    %shift_right_arithmetic3A_561 = arith.constant 7 : i32
    %shift_right_arithmetic3A_562 = vector.broadcast %shift_right_arithmetic3A_561 : i32 to vector<16xi32>
    %shift_right_arithmetic3A_563 = arith.shrsi %get3A_549, %shift_right_arithmetic3A_562 : vector<16xi32>
    %and3A_564 = arith.constant 3 : i32
    %and3A_565 = vector.broadcast %and3A_564 : i32 to vector<16xi32>
    %and3A_566 = arith.andi %shift_right_arithmetic3A_563, %and3A_565 : vector<16xi32>
    %add3A_567 = arith.addi %add3A_560, %and3A_566 : vector<16xi32>
    %swap3A_568 = arith.constant 352 : index
    %swap3A_569 = tpu.vector_load %arg6[%swap3A_568] {strides = array<i32>} : memref<512xi32, #tpu.memory_space<vmem>>, vector<16xi32>,
    %swap3A_570 = vector.shape_cast %swap3A_569 : vector<16xi32> to vector<16xi32>
    %swap3A_571 = vector.shape_cast %add3A_567 : vector<16xi32> to vector<16xi32>
    tpu.vector_store %arg6[%swap3A_568], %swap3A_571 {strides = array<i32>} : memref<512xi32, #tpu.memory_space<vmem>>, vector<16xi32>,
    %get3A_572 = arith.constant 368 : index
    %get3A_573 = tpu.vector_load %arg5[%get3A_572] {strides = array<i32>} : memref<512xi32, #tpu.memory_space<vmem>>, vector<16xi32>,
    %get3A_574 = vector.shape_cast %get3A_573 : vector<16xi32> to vector<16xi32>
    %and3A_575 = arith.constant 511 : i32
    %and3A_576 = vector.broadcast %and3A_575 : i32 to vector<16xi32>
    %and3A_577 = arith.andi %get3A_574, %and3A_576 : vector<16xi32>
    %sub3A_578 = arith.subi %get3A_574, %and3A_577 : vector<16xi32>
    %and3A_579 = arith.constant 127 : i32
    %and3A_580 = vector.broadcast %and3A_579 : i32 to vector<16xi32>
    %and3A_581 = arith.andi %get3A_574, %and3A_580 : vector<16xi32>
    %shift_left3A_582 = arith.constant 2 : i32
    %shift_left3A_583 = vector.broadcast %shift_left3A_582 : i32 to vector<16xi32>
    %shift_left3A_584 = arith.shli %and3A_581, %shift_left3A_583 : vector<16xi32>
    %add3A_585 = arith.addi %sub3A_578, %shift_left3A_584 : vector<16xi32>
    %shift_right_arithmetic3A_586 = arith.constant 7 : i32
    %shift_right_arithmetic3A_587 = vector.broadcast %shift_right_arithmetic3A_586 : i32 to vector<16xi32>
    %shift_right_arithmetic3A_588 = arith.shrsi %get3A_574, %shift_right_arithmetic3A_587 : vector<16xi32>
    %and3A_589 = arith.constant 3 : i32
    %and3A_590 = vector.broadcast %and3A_589 : i32 to vector<16xi32>
    %and3A_591 = arith.andi %shift_right_arithmetic3A_588, %and3A_590 : vector<16xi32>
    %add3A_592 = arith.addi %add3A_585, %and3A_591 : vector<16xi32>
    %swap3A_593 = arith.constant 368 : index
    %swap3A_594 = tpu.vector_load %arg6[%swap3A_593] {strides = array<i32>} : memref<512xi32, #tpu.memory_space<vmem>>, vector<16xi32>,
    %swap3A_595 = vector.shape_cast %swap3A_594 : vector<16xi32> to vector<16xi32>
    %swap3A_596 = vector.shape_cast %add3A_592 : vector<16xi32> to vector<16xi32>
    tpu.vector_store %arg6[%swap3A_593], %swap3A_596 {strides = array<i32>} : memref<512xi32, #tpu.memory_space<vmem>>, vector<16xi32>,
    %get3A_597 = arith.constant 384 : index
    %get3A_598 = tpu.vector_load %arg5[%get3A_597] {strides = array<i32>} : memref<512xi32, #tpu.memory_space<vmem>>, vector<16xi32>,
    %get3A_599 = vector.shape_cast %get3A_598 : vector<16xi32> to vector<16xi32>
    %and3A_600 = arith.constant 511 : i32
    %and3A_601 = vector.broadcast %and3A_600 : i32 to vector<16xi32>
    %and3A_602 = arith.andi %get3A_599, %and3A_601 : vector<16xi32>
    %sub3A_603 = arith.subi %get3A_599, %and3A_602 : vector<16xi32>
    %and3A_604 = arith.constant 127 : i32
    %and3A_605 = vector.broadcast %and3A_604 : i32 to vector<16xi32>
    %and3A_606 = arith.andi %get3A_599, %and3A_605 : vector<16xi32>
    %shift_left3A_607 = arith.constant 2 : i32
    %shift_left3A_608 = vector.broadcast %shift_left3A_607 : i32 to vector<16xi32>
    %shift_left3A_609 = arith.shli %and3A_606, %shift_left3A_608 : vector<16xi32>
    %add3A_610 = arith.addi %sub3A_603, %shift_left3A_609 : vector<16xi32>
    %shift_right_arithmetic3A_611 = arith.constant 7 : i32
    %shift_right_arithmetic3A_612 = vector.broadcast %shift_right_arithmetic3A_611 : i32 to vector<16xi32>
    %shift_right_arithmetic3A_613 = arith.shrsi %get3A_599, %shift_right_arithmetic3A_612 : vector<16xi32>
    %and3A_614 = arith.constant 3 : i32
    %and3A_615 = vector.broadcast %and3A_614 : i32 to vector<16xi32>
    %and3A_616 = arith.andi %shift_right_arithmetic3A_613, %and3A_615 : vector<16xi32>
    %add3A_617 = arith.addi %add3A_610, %and3A_616 : vector<16xi32>
    %swap3A_618 = arith.constant 384 : index
    %swap3A_619 = tpu.vector_load %arg6[%swap3A_618] {strides = array<i32>} : memref<512xi32, #tpu.memory_space<vmem>>, vector<16xi32>,
    %swap3A_620 = vector.shape_cast %swap3A_619 : vector<16xi32> to vector<16xi32>
    %swap3A_621 = vector.shape_cast %add3A_617 : vector<16xi32> to vector<16xi32>
    tpu.vector_store %arg6[%swap3A_618], %swap3A_621 {strides = array<i32>} : memref<512xi32, #tpu.memory_space<vmem>>, vector<16xi32>,
    %get3A_622 = arith.constant 400 : index
    %get3A_623 = tpu.vector_load %arg5[%get3A_622] {strides = array<i32>} : memref<512xi32, #tpu.memory_space<vmem>>, vector<16xi32>,
    %get3A_624 = vector.shape_cast %get3A_623 : vector<16xi32> to vector<16xi32>
    %and3A_625 = arith.constant 511 : i32
    %and3A_626 = vector.broadcast %and3A_625 : i32 to vector<16xi32>
    %and3A_627 = arith.andi %get3A_624, %and3A_626 : vector<16xi32>
    %sub3A_628 = arith.subi %get3A_624, %and3A_627 : vector<16xi32>
    %and3A_629 = arith.constant 127 : i32
    %and3A_630 = vector.broadcast %and3A_629 : i32 to vector<16xi32>
    %and3A_631 = arith.andi %get3A_624, %and3A_630 : vector<16xi32>
    %shift_left3A_632 = arith.constant 2 : i32
    %shift_left3A_633 = vector.broadcast %shift_left3A_632 : i32 to vector<16xi32>
    %shift_left3A_634 = arith.shli %and3A_631, %shift_left3A_633 : vector<16xi32>
    %add3A_635 = arith.addi %sub3A_628, %shift_left3A_634 : vector<16xi32>
    %shift_right_arithmetic3A_636 = arith.constant 7 : i32
    %shift_right_arithmetic3A_637 = vector.broadcast %shift_right_arithmetic3A_636 : i32 to vector<16xi32>
    %shift_right_arithmetic3A_638 = arith.shrsi %get3A_624, %shift_right_arithmetic3A_637 : vector<16xi32>
    %and3A_639 = arith.constant 3 : i32
    %and3A_640 = vector.broadcast %and3A_639 : i32 to vector<16xi32>
    %and3A_641 = arith.andi %shift_right_arithmetic3A_638, %and3A_640 : vector<16xi32>
    %add3A_642 = arith.addi %add3A_635, %and3A_641 : vector<16xi32>
    %swap3A_643 = arith.constant 400 : index
    %swap3A_644 = tpu.vector_load %arg6[%swap3A_643] {strides = array<i32>} : memref<512xi32, #tpu.memory_space<vmem>>, vector<16xi32>,
    %swap3A_645 = vector.shape_cast %swap3A_644 : vector<16xi32> to vector<16xi32>
    %swap3A_646 = vector.shape_cast %add3A_642 : vector<16xi32> to vector<16xi32>
    tpu.vector_store %arg6[%swap3A_643], %swap3A_646 {strides = array<i32>} : memref<512xi32, #tpu.memory_space<vmem>>, vector<16xi32>,
    %get3A_647 = arith.constant 416 : index
    %get3A_648 = tpu.vector_load %arg5[%get3A_647] {strides = array<i32>} : memref<512xi32, #tpu.memory_space<vmem>>, vector<16xi32>,
    %get3A_649 = vector.shape_cast %get3A_648 : vector<16xi32> to vector<16xi32>
    %and3A_650 = arith.constant 511 : i32
    %and3A_651 = vector.broadcast %and3A_650 : i32 to vector<16xi32>
    %and3A_652 = arith.andi %get3A_649, %and3A_651 : vector<16xi32>
    %sub3A_653 = arith.subi %get3A_649, %and3A_652 : vector<16xi32>
    %and3A_654 = arith.constant 127 : i32
    %and3A_655 = vector.broadcast %and3A_654 : i32 to vector<16xi32>
    %and3A_656 = arith.andi %get3A_649, %and3A_655 : vector<16xi32>
    %shift_left3A_657 = arith.constant 2 : i32
    %shift_left3A_658 = vector.broadcast %shift_left3A_657 : i32 to vector<16xi32>
    %shift_left3A_659 = arith.shli %and3A_656, %shift_left3A_658 : vector<16xi32>
    %add3A_660 = arith.addi %sub3A_653, %shift_left3A_659 : vector<16xi32>
    %shift_right_arithmetic3A_661 = arith.constant 7 : i32
    %shift_right_arithmetic3A_662 = vector.broadcast %shift_right_arithmetic3A_661 : i32 to vector<16xi32>
    %shift_right_arithmetic3A_663 = arith.shrsi %get3A_649, %shift_right_arithmetic3A_662 : vector<16xi32>
    %and3A_664 = arith.constant 3 : i32
    %and3A_665 = vector.broadcast %and3A_664 : i32 to vector<16xi32>
    %and3A_666 = arith.andi %shift_right_arithmetic3A_663, %and3A_665 : vector<16xi32>
    %add3A_667 = arith.addi %add3A_660, %and3A_666 : vector<16xi32>
    %swap3A_668 = arith.constant 416 : index
    %swap3A_669 = tpu.vector_load %arg6[%swap3A_668] {strides = array<i32>} : memref<512xi32, #tpu.memory_space<vmem>>, vector<16xi32>,
    %swap3A_670 = vector.shape_cast %swap3A_669 : vector<16xi32> to vector<16xi32>
    %swap3A_671 = vector.shape_cast %add3A_667 : vector<16xi32> to vector<16xi32>
    tpu.vector_store %arg6[%swap3A_668], %swap3A_671 {strides = array<i32>} : memref<512xi32, #tpu.memory_space<vmem>>, vector<16xi32>,
    %get3A_672 = arith.constant 432 : index
    %get3A_673 = tpu.vector_load %arg5[%get3A_672] {strides = array<i32>} : memref<512xi32, #tpu.memory_space<vmem>>, vector<16xi32>,
    %get3A_674 = vector.shape_cast %get3A_673 : vector<16xi32> to vector<16xi32>
    %and3A_675 = arith.constant 511 : i32
    %and3A_676 = vector.broadcast %and3A_675 : i32 to vector<16xi32>
    %and3A_677 = arith.andi %get3A_674, %and3A_676 : vector<16xi32>
    %sub3A_678 = arith.subi %get3A_674, %and3A_677 : vector<16xi32>
    %and3A_679 = arith.constant 127 : i32
    %and3A_680 = vector.broadcast %and3A_679 : i32 to vector<16xi32>
    %and3A_681 = arith.andi %get3A_674, %and3A_680 : vector<16xi32>
    %shift_left3A_682 = arith.constant 2 : i32
    %shift_left3A_683 = vector.broadcast %shift_left3A_682 : i32 to vector<16xi32>
    %shift_left3A_684 = arith.shli %and3A_681, %shift_left3A_683 : vector<16xi32>
    %add3A_685 = arith.addi %sub3A_678, %shift_left3A_684 : vector<16xi32>
    %shift_right_arithmetic3A_686 = arith.constant 7 : i32
    %shift_right_arithmetic3A_687 = vector.broadcast %shift_right_arithmetic3A_686 : i32 to vector<16xi32>
    %shift_right_arithmetic3A_688 = arith.shrsi %get3A_674, %shift_right_arithmetic3A_687 : vector<16xi32>
    %and3A_689 = arith.constant 3 : i32
    %and3A_690 = vector.broadcast %and3A_689 : i32 to vector<16xi32>
    %and3A_691 = arith.andi %shift_right_arithmetic3A_688, %and3A_690 : vector<16xi32>
    %add3A_692 = arith.addi %add3A_685, %and3A_691 : vector<16xi32>
    %swap3A_693 = arith.constant 432 : index
    %swap3A_694 = tpu.vector_load %arg6[%swap3A_693] {strides = array<i32>} : memref<512xi32, #tpu.memory_space<vmem>>, vector<16xi32>,
    %swap3A_695 = vector.shape_cast %swap3A_694 : vector<16xi32> to vector<16xi32>
    %swap3A_696 = vector.shape_cast %add3A_692 : vector<16xi32> to vector<16xi32>
    tpu.vector_store %arg6[%swap3A_693], %swap3A_696 {strides = array<i32>} : memref<512xi32, #tpu.memory_space<vmem>>, vector<16xi32>,
    %get3A_697 = arith.constant 448 : index
    %get3A_698 = tpu.vector_load %arg5[%get3A_697] {strides = array<i32>} : memref<512xi32, #tpu.memory_space<vmem>>, vector<16xi32>,
    %get3A_699 = vector.shape_cast %get3A_698 : vector<16xi32> to vector<16xi32>
    %and3A_700 = arith.constant 511 : i32
    %and3A_701 = vector.broadcast %and3A_700 : i32 to vector<16xi32>
    %and3A_702 = arith.andi %get3A_699, %and3A_701 : vector<16xi32>
    %sub3A_703 = arith.subi %get3A_699, %and3A_702 : vector<16xi32>
    %and3A_704 = arith.constant 127 : i32
    %and3A_705 = vector.broadcast %and3A_704 : i32 to vector<16xi32>
    %and3A_706 = arith.andi %get3A_699, %and3A_705 : vector<16xi32>
    %shift_left3A_707 = arith.constant 2 : i32
    %shift_left3A_708 = vector.broadcast %shift_left3A_707 : i32 to vector<16xi32>
    %shift_left3A_709 = arith.shli %and3A_706, %shift_left3A_708 : vector<16xi32>
    %add3A_710 = arith.addi %sub3A_703, %shift_left3A_709 : vector<16xi32>
    %shift_right_arithmetic3A_711 = arith.constant 7 : i32
    %shift_right_arithmetic3A_712 = vector.broadcast %shift_right_arithmetic3A_711 : i32 to vector<16xi32>
    %shift_right_arithmetic3A_713 = arith.shrsi %get3A_699, %shift_right_arithmetic3A_712 : vector<16xi32>
    %and3A_714 = arith.constant 3 : i32
    %and3A_715 = vector.broadcast %and3A_714 : i32 to vector<16xi32>
    %and3A_716 = arith.andi %shift_right_arithmetic3A_713, %and3A_715 : vector<16xi32>
    %add3A_717 = arith.addi %add3A_710, %and3A_716 : vector<16xi32>
    %swap3A_718 = arith.constant 448 : index
    %swap3A_719 = tpu.vector_load %arg6[%swap3A_718] {strides = array<i32>} : memref<512xi32, #tpu.memory_space<vmem>>, vector<16xi32>,
    %swap3A_720 = vector.shape_cast %swap3A_719 : vector<16xi32> to vector<16xi32>
    %swap3A_721 = vector.shape_cast %add3A_717 : vector<16xi32> to vector<16xi32>
    tpu.vector_store %arg6[%swap3A_718], %swap3A_721 {strides = array<i32>} : memref<512xi32, #tpu.memory_space<vmem>>, vector<16xi32>,
    %get3A_722 = arith.constant 464 : index
    %get3A_723 = tpu.vector_load %arg5[%get3A_722] {strides = array<i32>} : memref<512xi32, #tpu.memory_space<vmem>>, vector<16xi32>,
    %get3A_724 = vector.shape_cast %get3A_723 : vector<16xi32> to vector<16xi32>
    %and3A_725 = arith.constant 511 : i32
    %and3A_726 = vector.broadcast %and3A_725 : i32 to vector<16xi32>
    %and3A_727 = arith.andi %get3A_724, %and3A_726 : vector<16xi32>
    %sub3A_728 = arith.subi %get3A_724, %and3A_727 : vector<16xi32>
    %and3A_729 = arith.constant 127 : i32
    %and3A_730 = vector.broadcast %and3A_729 : i32 to vector<16xi32>
    %and3A_731 = arith.andi %get3A_724, %and3A_730 : vector<16xi32>
    %shift_left3A_732 = arith.constant 2 : i32
    %shift_left3A_733 = vector.broadcast %shift_left3A_732 : i32 to vector<16xi32>
    %shift_left3A_734 = arith.shli %and3A_731, %shift_left3A_733 : vector<16xi32>
    %add3A_735 = arith.addi %sub3A_728, %shift_left3A_734 : vector<16xi32>
    %shift_right_arithmetic3A_736 = arith.constant 7 : i32
    %shift_right_arithmetic3A_737 = vector.broadcast %shift_right_arithmetic3A_736 : i32 to vector<16xi32>
    %shift_right_arithmetic3A_738 = arith.shrsi %get3A_724, %shift_right_arithmetic3A_737 : vector<16xi32>
    %and3A_739 = arith.constant 3 : i32
    %and3A_740 = vector.broadcast %and3A_739 : i32 to vector<16xi32>
    %and3A_741 = arith.andi %shift_right_arithmetic3A_738, %and3A_740 : vector<16xi32>
    %add3A_742 = arith.addi %add3A_735, %and3A_741 : vector<16xi32>
    %swap3A_743 = arith.constant 464 : index
    %swap3A_744 = tpu.vector_load %arg6[%swap3A_743] {strides = array<i32>} : memref<512xi32, #tpu.memory_space<vmem>>, vector<16xi32>,
    %swap3A_745 = vector.shape_cast %swap3A_744 : vector<16xi32> to vector<16xi32>
    %swap3A_746 = vector.shape_cast %add3A_742 : vector<16xi32> to vector<16xi32>
    tpu.vector_store %arg6[%swap3A_743], %swap3A_746 {strides = array<i32>} : memref<512xi32, #tpu.memory_space<vmem>>, vector<16xi32>,
    %get3A_747 = arith.constant 480 : index
    %get3A_748 = tpu.vector_load %arg5[%get3A_747] {strides = array<i32>} : memref<512xi32, #tpu.memory_space<vmem>>, vector<16xi32>,
    %get3A_749 = vector.shape_cast %get3A_748 : vector<16xi32> to vector<16xi32>
    %and3A_750 = arith.constant 511 : i32
    %and3A_751 = vector.broadcast %and3A_750 : i32 to vector<16xi32>
    %and3A_752 = arith.andi %get3A_749, %and3A_751 : vector<16xi32>
    %sub3A_753 = arith.subi %get3A_749, %and3A_752 : vector<16xi32>
    %and3A_754 = arith.constant 127 : i32
    %and3A_755 = vector.broadcast %and3A_754 : i32 to vector<16xi32>
    %and3A_756 = arith.andi %get3A_749, %and3A_755 : vector<16xi32>
    %shift_left3A_757 = arith.constant 2 : i32
    %shift_left3A_758 = vector.broadcast %shift_left3A_757 : i32 to vector<16xi32>
    %shift_left3A_759 = arith.shli %and3A_756, %shift_left3A_758 : vector<16xi32>
    %add3A_760 = arith.addi %sub3A_753, %shift_left3A_759 : vector<16xi32>
    %shift_right_arithmetic3A_761 = arith.constant 7 : i32
    %shift_right_arithmetic3A_762 = vector.broadcast %shift_right_arithmetic3A_761 : i32 to vector<16xi32>
    %shift_right_arithmetic3A_763 = arith.shrsi %get3A_749, %shift_right_arithmetic3A_762 : vector<16xi32>
    %and3A_764 = arith.constant 3 : i32
    %and3A_765 = vector.broadcast %and3A_764 : i32 to vector<16xi32>
    %and3A_766 = arith.andi %shift_right_arithmetic3A_763, %and3A_765 : vector<16xi32>
    %add3A_767 = arith.addi %add3A_760, %and3A_766 : vector<16xi32>
    %swap3A_768 = arith.constant 480 : index
    %swap3A_769 = tpu.vector_load %arg6[%swap3A_768] {strides = array<i32>} : memref<512xi32, #tpu.memory_space<vmem>>, vector<16xi32>,
    %swap3A_770 = vector.shape_cast %swap3A_769 : vector<16xi32> to vector<16xi32>
    %swap3A_771 = vector.shape_cast %add3A_767 : vector<16xi32> to vector<16xi32>
    tpu.vector_store %arg6[%swap3A_768], %swap3A_771 {strides = array<i32>} : memref<512xi32, #tpu.memory_space<vmem>>, vector<16xi32>,
    %get3A_772 = arith.constant 496 : index
    %get3A_773 = tpu.vector_load %arg5[%get3A_772] {strides = array<i32>} : memref<512xi32, #tpu.memory_space<vmem>>, vector<16xi32>,
    %get3A_774 = vector.shape_cast %get3A_773 : vector<16xi32> to vector<16xi32>
    %and3A_775 = arith.constant 511 : i32
    %and3A_776 = vector.broadcast %and3A_775 : i32 to vector<16xi32>
    %and3A_777 = arith.andi %get3A_774, %and3A_776 : vector<16xi32>
    %sub3A_778 = arith.subi %get3A_774, %and3A_777 : vector<16xi32>
    %and3A_779 = arith.constant 127 : i32
    %and3A_780 = vector.broadcast %and3A_779 : i32 to vector<16xi32>
    %and3A_781 = arith.andi %get3A_774, %and3A_780 : vector<16xi32>
    %shift_left3A_782 = arith.constant 2 : i32
    %shift_left3A_783 = vector.broadcast %shift_left3A_782 : i32 to vector<16xi32>
    %shift_left3A_784 = arith.shli %and3A_781, %shift_left3A_783 : vector<16xi32>
    %add3A_785 = arith.addi %sub3A_778, %shift_left3A_784 : vector<16xi32>
    %shift_right_arithmetic3A_786 = arith.constant 7 : i32
    %shift_right_arithmetic3A_787 = vector.broadcast %shift_right_arithmetic3A_786 : i32 to vector<16xi32>
    %shift_right_arithmetic3A_788 = arith.shrsi %get3A_774, %shift_right_arithmetic3A_787 : vector<16xi32>
    %and3A_789 = arith.constant 3 : i32
    %and3A_790 = vector.broadcast %and3A_789 : i32 to vector<16xi32>
    %and3A_791 = arith.andi %shift_right_arithmetic3A_788, %and3A_790 : vector<16xi32>
    %add3A_792 = arith.addi %add3A_785, %and3A_791 : vector<16xi32>
    %swap3A_793 = arith.constant 496 : index
    %swap3A_794 = tpu.vector_load %arg6[%swap3A_793] {strides = array<i32>} : memref<512xi32, #tpu.memory_space<vmem>>, vector<16xi32>,
    %swap3A_795 = vector.shape_cast %swap3A_794 : vector<16xi32> to vector<16xi32>
    %swap3A_796 = vector.shape_cast %add3A_792 : vector<16xi32> to vector<16xi32>
    tpu.vector_store %arg6[%swap3A_793], %swap3A_796 {strides = array<i32>} : memref<512xi32, #tpu.memory_space<vmem>>, vector<16xi32>,
    %dma_start3A = arith.constant 0 : i32
    %dma_start3A_797 = arith.constant 0 : i32
    %dma_start3A_798 = tpu.memref_slice %arg2[%dma_start3A, %dma_start3A_797] : memref<102400x32xf32, #tpu.memory_space<hbm>> -> memref<102400x32xf32, #tpu.memory_space<hbm>>
    tpu.enqueue_indirect_dma source(%dma_start3A_798 : memref<102400x32xf32, #tpu.memory_space<hbm>>) target(%arg7 : memref<512x32xf32, #tpu.memory_space<vmem>>) offsets(%arg6 : memref<512xi32, #tpu.memory_space<vmem>>) semaphore(%arg8 : memref<!tpu.dma_semaphore, #tpu.memory_space<semaphore_mem>>)
    %dma_wait3A = arith.constant 0 : i32
    %dma_wait3A_799 = arith.constant 0 : i32
    %dma_wait3A_800 = tpu.memref_slice %arg2[%dma_wait3A, %dma_wait3A_799] : memref<102400x32xf32, #tpu.memory_space<hbm>> -> memref<102400x32xf32, #tpu.memory_space<hbm>>
    tpu.wait_indirect_dma semaphore(%arg8 : memref<!tpu.dma_semaphore, #tpu.memory_space<semaphore_mem>>) src(%dma_wait3A_800 : memref<102400x32xf32, #tpu.memory_space<hbm>>) dst(%arg7 : memref<512x32xf32, #tpu.memory_space<vmem>>)
    "tpu.region"() ({
      %run_scoped3A = tpu.sem_alloc : memref<!tpu.dma_semaphore, #tpu.memory_space<semaphore_mem>>
      %dma_start3A_801 = arith.constant 0 : i32
      %dma_start3A_802 = tpu.memref_slice %arg4[%mul3A_2, %dma_start3A_801] : memref<16384x32xf32, #tpu.memory_space<hbm>> -> memref<512x32xf32, #tpu.memory_space<hbm>>
      %dma_start3A_803 = arith.constant 0 : i32
      %dma_start3A_804 = tpu.memref_slice %arg4[%mul3A_2, %dma_start3A_803] : memref<16384x32xf32, #tpu.memory_space<hbm>> -> memref<512x32xf32, #tpu.memory_space<hbm>>
      tpu.enqueue_dma source(%arg7 : memref<512x32xf32, #tpu.memory_space<vmem>>) target(%dma_start3A_804 : memref<512x32xf32, #tpu.memory_space<hbm>>) target_semaphore(%run_scoped3A : memref<!tpu.dma_semaphore, #tpu.memory_space<semaphore_mem>>)
      %dma_wait3A_805 = arith.constant 0 : i32
      %dma_wait3A_806 = tpu.memref_slice %arg4[%mul3A_2, %dma_wait3A_805] : memref<16384x32xf32, #tpu.memory_space<hbm>> -> memref<512x32xf32, #tpu.memory_space<hbm>>
      %dma_wait3A_807 = arith.constant 0 : i32
      %dma_wait3A_808 = tpu.memref_slice %arg4[%mul3A_2, %dma_wait3A_807] : memref<16384x32xf32, #tpu.memory_space<hbm>> -> memref<512x32xf32, #tpu.memory_space<hbm>>
      tpu.wait_dma2 semaphore(%run_scoped3A : memref<!tpu.dma_semaphore, #tpu.memory_space<semaphore_mem>>) src(%arg7 : memref<512x32xf32, #tpu.memory_space<vmem>>) dst(%dma_wait3A_808 : memref<512x32xf32, #tpu.memory_space<hbm>>)
      tpu.yield
    }) : () -> ()
    return
  }
}

module attributes {stable_mosaic.version = 14 : i64} {
  func.func @_transpose_body(%arg0: i32, %arg1: memref<32x10240xf32, #tpu.memory_space<vmem>>, %arg2: memref<2560x128xf32, #tpu.memory_space<vmem>>) attributes {dimension_semantics = [#tpu.dimension_semantics<arbitrary>], iteration_bounds = array<i64: 10>, scalar_prefetch = 0 : i64, scratch_operands = 0 : i64, tpu.core_type = #tpu.core_type<tc>, window_params = [{transform_indices = @transform_0, window_bounds = array<i64: 32, 10240>}, {transform_indices = @transform_1, window_bounds = array<i64: 2560, 128>}]} {
    %get3A = arith.constant 0 : index
    %get3A_0 = arith.constant 0 : index
    %get3A_1 = vector.load %arg1[%get3A, %get3A_0] : memref<32x10240xf32, #tpu.memory_space<vmem>>, vector<32x10240xf32>
    %slice3A = vector.extract_strided_slice %get3A_1 {offsets = [0, 0], sizes = [32, 128], strides = [1, 1]} : vector<32x10240xf32> to vector<32x128xf32>
    %slice3A_2 = vector.extract_strided_slice %get3A_1 {offsets = [0, 128], sizes = [32, 128], strides = [1, 1]} : vector<32x10240xf32> to vector<32x128xf32>
    %slice3A_3 = vector.extract_strided_slice %get3A_1 {offsets = [0, 256], sizes = [32, 128], strides = [1, 1]} : vector<32x10240xf32> to vector<32x128xf32>
    %slice3A_4 = vector.extract_strided_slice %get3A_1 {offsets = [0, 384], sizes = [32, 128], strides = [1, 1]} : vector<32x10240xf32> to vector<32x128xf32>
    %concatenate3A = tpu.concatenate %slice3A, %slice3A_2, %slice3A_3, %slice3A_4 in 0 : vector<32x128xf32>, vector<32x128xf32>, vector<32x128xf32>, vector<32x128xf32> -> vector<128x128xf32>
    %transpose3A = tpu.transpose %concatenate3A, [1, 0] : vector<128x128xf32> -> vector<128x128xf32>
    %swap3A = arith.constant 0 : index
    %swap3A_5 = arith.constant 0 : index
    %swap3A_6 = vector.load %arg2[%swap3A, %swap3A_5] : memref<2560x128xf32, #tpu.memory_space<vmem>>, vector<128x128xf32>
    tpu.vector_store %arg2[%swap3A, %swap3A_5], %transpose3A {strides = array<i32>} : memref<2560x128xf32, #tpu.memory_space<vmem>>, vector<128x128xf32>,
    %slice3A_7 = vector.extract_strided_slice %get3A_1 {offsets = [0, 512], sizes = [32, 128], strides = [1, 1]} : vector<32x10240xf32> to vector<32x128xf32>
    %slice3A_8 = vector.extract_strided_slice %get3A_1 {offsets = [0, 640], sizes = [32, 128], strides = [1, 1]} : vector<32x10240xf32> to vector<32x128xf32>
    %slice3A_9 = vector.extract_strided_slice %get3A_1 {offsets = [0, 768], sizes = [32, 128], strides = [1, 1]} : vector<32x10240xf32> to vector<32x128xf32>
    %slice3A_10 = vector.extract_strided_slice %get3A_1 {offsets = [0, 896], sizes = [32, 128], strides = [1, 1]} : vector<32x10240xf32> to vector<32x128xf32>
    %concatenate3A_11 = tpu.concatenate %slice3A_7, %slice3A_8, %slice3A_9, %slice3A_10 in 0 : vector<32x128xf32>, vector<32x128xf32>, vector<32x128xf32>, vector<32x128xf32> -> vector<128x128xf32>
    %transpose3A_12 = tpu.transpose %concatenate3A_11, [1, 0] : vector<128x128xf32> -> vector<128x128xf32>
    %swap3A_13 = arith.constant 128 : index
    %swap3A_14 = arith.constant 0 : index
    %swap3A_15 = vector.load %arg2[%swap3A_13, %swap3A_14] : memref<2560x128xf32, #tpu.memory_space<vmem>>, vector<128x128xf32>
    tpu.vector_store %arg2[%swap3A_13, %swap3A_14], %transpose3A_12 {strides = array<i32>} : memref<2560x128xf32, #tpu.memory_space<vmem>>, vector<128x128xf32>,
    %slice3A_16 = vector.extract_strided_slice %get3A_1 {offsets = [0, 1024], sizes = [32, 128], strides = [1, 1]} : vector<32x10240xf32> to vector<32x128xf32>
    %slice3A_17 = vector.extract_strided_slice %get3A_1 {offsets = [0, 1152], sizes = [32, 128], strides = [1, 1]} : vector<32x10240xf32> to vector<32x128xf32>
    %slice3A_18 = vector.extract_strided_slice %get3A_1 {offsets = [0, 1280], sizes = [32, 128], strides = [1, 1]} : vector<32x10240xf32> to vector<32x128xf32>
    %slice3A_19 = vector.extract_strided_slice %get3A_1 {offsets = [0, 1408], sizes = [32, 128], strides = [1, 1]} : vector<32x10240xf32> to vector<32x128xf32>
    %concatenate3A_20 = tpu.concatenate %slice3A_16, %slice3A_17, %slice3A_18, %slice3A_19 in 0 : vector<32x128xf32>, vector<32x128xf32>, vector<32x128xf32>, vector<32x128xf32> -> vector<128x128xf32>
    %transpose3A_21 = tpu.transpose %concatenate3A_20, [1, 0] : vector<128x128xf32> -> vector<128x128xf32>
    %swap3A_22 = arith.constant 256 : index
    %swap3A_23 = arith.constant 0 : index
    %swap3A_24 = vector.load %arg2[%swap3A_22, %swap3A_23] : memref<2560x128xf32, #tpu.memory_space<vmem>>, vector<128x128xf32>
    tpu.vector_store %arg2[%swap3A_22, %swap3A_23], %transpose3A_21 {strides = array<i32>} : memref<2560x128xf32, #tpu.memory_space<vmem>>, vector<128x128xf32>,
    %slice3A_25 = vector.extract_strided_slice %get3A_1 {offsets = [0, 1536], sizes = [32, 128], strides = [1, 1]} : vector<32x10240xf32> to vector<32x128xf32>
    %slice3A_26 = vector.extract_strided_slice %get3A_1 {offsets = [0, 1664], sizes = [32, 128], strides = [1, 1]} : vector<32x10240xf32> to vector<32x128xf32>
    %slice3A_27 = vector.extract_strided_slice %get3A_1 {offsets = [0, 1792], sizes = [32, 128], strides = [1, 1]} : vector<32x10240xf32> to vector<32x128xf32>
    %slice3A_28 = vector.extract_strided_slice %get3A_1 {offsets = [0, 1920], sizes = [32, 128], strides = [1, 1]} : vector<32x10240xf32> to vector<32x128xf32>
    %concatenate3A_29 = tpu.concatenate %slice3A_25, %slice3A_26, %slice3A_27, %slice3A_28 in 0 : vector<32x128xf32>, vector<32x128xf32>, vector<32x128xf32>, vector<32x128xf32> -> vector<128x128xf32>
    %transpose3A_30 = tpu.transpose %concatenate3A_29, [1, 0] : vector<128x128xf32> -> vector<128x128xf32>
    %swap3A_31 = arith.constant 384 : index
    %swap3A_32 = arith.constant 0 : index
    %swap3A_33 = vector.load %arg2[%swap3A_31, %swap3A_32] : memref<2560x128xf32, #tpu.memory_space<vmem>>, vector<128x128xf32>
    tpu.vector_store %arg2[%swap3A_31, %swap3A_32], %transpose3A_30 {strides = array<i32>} : memref<2560x128xf32, #tpu.memory_space<vmem>>, vector<128x128xf32>,
    %slice3A_34 = vector.extract_strided_slice %get3A_1 {offsets = [0, 2048], sizes = [32, 128], strides = [1, 1]} : vector<32x10240xf32> to vector<32x128xf32>
    %slice3A_35 = vector.extract_strided_slice %get3A_1 {offsets = [0, 2176], sizes = [32, 128], strides = [1, 1]} : vector<32x10240xf32> to vector<32x128xf32>
    %slice3A_36 = vector.extract_strided_slice %get3A_1 {offsets = [0, 2304], sizes = [32, 128], strides = [1, 1]} : vector<32x10240xf32> to vector<32x128xf32>
    %slice3A_37 = vector.extract_strided_slice %get3A_1 {offsets = [0, 2432], sizes = [32, 128], strides = [1, 1]} : vector<32x10240xf32> to vector<32x128xf32>
    %concatenate3A_38 = tpu.concatenate %slice3A_34, %slice3A_35, %slice3A_36, %slice3A_37 in 0 : vector<32x128xf32>, vector<32x128xf32>, vector<32x128xf32>, vector<32x128xf32> -> vector<128x128xf32>
    %transpose3A_39 = tpu.transpose %concatenate3A_38, [1, 0] : vector<128x128xf32> -> vector<128x128xf32>
    %swap3A_40 = arith.constant 512 : index
    %swap3A_41 = arith.constant 0 : index
    %swap3A_42 = vector.load %arg2[%swap3A_40, %swap3A_41] : memref<2560x128xf32, #tpu.memory_space<vmem>>, vector<128x128xf32>
    tpu.vector_store %arg2[%swap3A_40, %swap3A_41], %transpose3A_39 {strides = array<i32>} : memref<2560x128xf32, #tpu.memory_space<vmem>>, vector<128x128xf32>,
    %slice3A_43 = vector.extract_strided_slice %get3A_1 {offsets = [0, 2560], sizes = [32, 128], strides = [1, 1]} : vector<32x10240xf32> to vector<32x128xf32>
    %slice3A_44 = vector.extract_strided_slice %get3A_1 {offsets = [0, 2688], sizes = [32, 128], strides = [1, 1]} : vector<32x10240xf32> to vector<32x128xf32>
    %slice3A_45 = vector.extract_strided_slice %get3A_1 {offsets = [0, 2816], sizes = [32, 128], strides = [1, 1]} : vector<32x10240xf32> to vector<32x128xf32>
    %slice3A_46 = vector.extract_strided_slice %get3A_1 {offsets = [0, 2944], sizes = [32, 128], strides = [1, 1]} : vector<32x10240xf32> to vector<32x128xf32>
    %concatenate3A_47 = tpu.concatenate %slice3A_43, %slice3A_44, %slice3A_45, %slice3A_46 in 0 : vector<32x128xf32>, vector<32x128xf32>, vector<32x128xf32>, vector<32x128xf32> -> vector<128x128xf32>
    %transpose3A_48 = tpu.transpose %concatenate3A_47, [1, 0] : vector<128x128xf32> -> vector<128x128xf32>
    %swap3A_49 = arith.constant 640 : index
    %swap3A_50 = arith.constant 0 : index
    %swap3A_51 = vector.load %arg2[%swap3A_49, %swap3A_50] : memref<2560x128xf32, #tpu.memory_space<vmem>>, vector<128x128xf32>
    tpu.vector_store %arg2[%swap3A_49, %swap3A_50], %transpose3A_48 {strides = array<i32>} : memref<2560x128xf32, #tpu.memory_space<vmem>>, vector<128x128xf32>,
    %slice3A_52 = vector.extract_strided_slice %get3A_1 {offsets = [0, 3072], sizes = [32, 128], strides = [1, 1]} : vector<32x10240xf32> to vector<32x128xf32>
    %slice3A_53 = vector.extract_strided_slice %get3A_1 {offsets = [0, 3200], sizes = [32, 128], strides = [1, 1]} : vector<32x10240xf32> to vector<32x128xf32>
    %slice3A_54 = vector.extract_strided_slice %get3A_1 {offsets = [0, 3328], sizes = [32, 128], strides = [1, 1]} : vector<32x10240xf32> to vector<32x128xf32>
    %slice3A_55 = vector.extract_strided_slice %get3A_1 {offsets = [0, 3456], sizes = [32, 128], strides = [1, 1]} : vector<32x10240xf32> to vector<32x128xf32>
    %concatenate3A_56 = tpu.concatenate %slice3A_52, %slice3A_53, %slice3A_54, %slice3A_55 in 0 : vector<32x128xf32>, vector<32x128xf32>, vector<32x128xf32>, vector<32x128xf32> -> vector<128x128xf32>
    %transpose3A_57 = tpu.transpose %concatenate3A_56, [1, 0] : vector<128x128xf32> -> vector<128x128xf32>
    %swap3A_58 = arith.constant 768 : index
    %swap3A_59 = arith.constant 0 : index
    %swap3A_60 = vector.load %arg2[%swap3A_58, %swap3A_59] : memref<2560x128xf32, #tpu.memory_space<vmem>>, vector<128x128xf32>
    tpu.vector_store %arg2[%swap3A_58, %swap3A_59], %transpose3A_57 {strides = array<i32>} : memref<2560x128xf32, #tpu.memory_space<vmem>>, vector<128x128xf32>,
    %slice3A_61 = vector.extract_strided_slice %get3A_1 {offsets = [0, 3584], sizes = [32, 128], strides = [1, 1]} : vector<32x10240xf32> to vector<32x128xf32>
    %slice3A_62 = vector.extract_strided_slice %get3A_1 {offsets = [0, 3712], sizes = [32, 128], strides = [1, 1]} : vector<32x10240xf32> to vector<32x128xf32>
    %slice3A_63 = vector.extract_strided_slice %get3A_1 {offsets = [0, 3840], sizes = [32, 128], strides = [1, 1]} : vector<32x10240xf32> to vector<32x128xf32>
    %slice3A_64 = vector.extract_strided_slice %get3A_1 {offsets = [0, 3968], sizes = [32, 128], strides = [1, 1]} : vector<32x10240xf32> to vector<32x128xf32>
    %concatenate3A_65 = tpu.concatenate %slice3A_61, %slice3A_62, %slice3A_63, %slice3A_64 in 0 : vector<32x128xf32>, vector<32x128xf32>, vector<32x128xf32>, vector<32x128xf32> -> vector<128x128xf32>
    %transpose3A_66 = tpu.transpose %concatenate3A_65, [1, 0] : vector<128x128xf32> -> vector<128x128xf32>
    %swap3A_67 = arith.constant 896 : index
    %swap3A_68 = arith.constant 0 : index
    %swap3A_69 = vector.load %arg2[%swap3A_67, %swap3A_68] : memref<2560x128xf32, #tpu.memory_space<vmem>>, vector<128x128xf32>
    tpu.vector_store %arg2[%swap3A_67, %swap3A_68], %transpose3A_66 {strides = array<i32>} : memref<2560x128xf32, #tpu.memory_space<vmem>>, vector<128x128xf32>,
    %slice3A_70 = vector.extract_strided_slice %get3A_1 {offsets = [0, 4096], sizes = [32, 128], strides = [1, 1]} : vector<32x10240xf32> to vector<32x128xf32>
    %slice3A_71 = vector.extract_strided_slice %get3A_1 {offsets = [0, 4224], sizes = [32, 128], strides = [1, 1]} : vector<32x10240xf32> to vector<32x128xf32>
    %slice3A_72 = vector.extract_strided_slice %get3A_1 {offsets = [0, 4352], sizes = [32, 128], strides = [1, 1]} : vector<32x10240xf32> to vector<32x128xf32>
    %slice3A_73 = vector.extract_strided_slice %get3A_1 {offsets = [0, 4480], sizes = [32, 128], strides = [1, 1]} : vector<32x10240xf32> to vector<32x128xf32>
    %concatenate3A_74 = tpu.concatenate %slice3A_70, %slice3A_71, %slice3A_72, %slice3A_73 in 0 : vector<32x128xf32>, vector<32x128xf32>, vector<32x128xf32>, vector<32x128xf32> -> vector<128x128xf32>
    %transpose3A_75 = tpu.transpose %concatenate3A_74, [1, 0] : vector<128x128xf32> -> vector<128x128xf32>
    %swap3A_76 = arith.constant 1024 : index
    %swap3A_77 = arith.constant 0 : index
    %swap3A_78 = vector.load %arg2[%swap3A_76, %swap3A_77] : memref<2560x128xf32, #tpu.memory_space<vmem>>, vector<128x128xf32>
    tpu.vector_store %arg2[%swap3A_76, %swap3A_77], %transpose3A_75 {strides = array<i32>} : memref<2560x128xf32, #tpu.memory_space<vmem>>, vector<128x128xf32>,
    %slice3A_79 = vector.extract_strided_slice %get3A_1 {offsets = [0, 4608], sizes = [32, 128], strides = [1, 1]} : vector<32x10240xf32> to vector<32x128xf32>
    %slice3A_80 = vector.extract_strided_slice %get3A_1 {offsets = [0, 4736], sizes = [32, 128], strides = [1, 1]} : vector<32x10240xf32> to vector<32x128xf32>
    %slice3A_81 = vector.extract_strided_slice %get3A_1 {offsets = [0, 4864], sizes = [32, 128], strides = [1, 1]} : vector<32x10240xf32> to vector<32x128xf32>
    %slice3A_82 = vector.extract_strided_slice %get3A_1 {offsets = [0, 4992], sizes = [32, 128], strides = [1, 1]} : vector<32x10240xf32> to vector<32x128xf32>
    %concatenate3A_83 = tpu.concatenate %slice3A_79, %slice3A_80, %slice3A_81, %slice3A_82 in 0 : vector<32x128xf32>, vector<32x128xf32>, vector<32x128xf32>, vector<32x128xf32> -> vector<128x128xf32>
    %transpose3A_84 = tpu.transpose %concatenate3A_83, [1, 0] : vector<128x128xf32> -> vector<128x128xf32>
    %swap3A_85 = arith.constant 1152 : index
    %swap3A_86 = arith.constant 0 : index
    %swap3A_87 = vector.load %arg2[%swap3A_85, %swap3A_86] : memref<2560x128xf32, #tpu.memory_space<vmem>>, vector<128x128xf32>
    tpu.vector_store %arg2[%swap3A_85, %swap3A_86], %transpose3A_84 {strides = array<i32>} : memref<2560x128xf32, #tpu.memory_space<vmem>>, vector<128x128xf32>,
    %slice3A_88 = vector.extract_strided_slice %get3A_1 {offsets = [0, 5120], sizes = [32, 128], strides = [1, 1]} : vector<32x10240xf32> to vector<32x128xf32>
    %slice3A_89 = vector.extract_strided_slice %get3A_1 {offsets = [0, 5248], sizes = [32, 128], strides = [1, 1]} : vector<32x10240xf32> to vector<32x128xf32>
    %slice3A_90 = vector.extract_strided_slice %get3A_1 {offsets = [0, 5376], sizes = [32, 128], strides = [1, 1]} : vector<32x10240xf32> to vector<32x128xf32>
    %slice3A_91 = vector.extract_strided_slice %get3A_1 {offsets = [0, 5504], sizes = [32, 128], strides = [1, 1]} : vector<32x10240xf32> to vector<32x128xf32>
    %concatenate3A_92 = tpu.concatenate %slice3A_88, %slice3A_89, %slice3A_90, %slice3A_91 in 0 : vector<32x128xf32>, vector<32x128xf32>, vector<32x128xf32>, vector<32x128xf32> -> vector<128x128xf32>
    %transpose3A_93 = tpu.transpose %concatenate3A_92, [1, 0] : vector<128x128xf32> -> vector<128x128xf32>
    %swap3A_94 = arith.constant 1280 : index
    %swap3A_95 = arith.constant 0 : index
    %swap3A_96 = vector.load %arg2[%swap3A_94, %swap3A_95] : memref<2560x128xf32, #tpu.memory_space<vmem>>, vector<128x128xf32>
    tpu.vector_store %arg2[%swap3A_94, %swap3A_95], %transpose3A_93 {strides = array<i32>} : memref<2560x128xf32, #tpu.memory_space<vmem>>, vector<128x128xf32>,
    %slice3A_97 = vector.extract_strided_slice %get3A_1 {offsets = [0, 5632], sizes = [32, 128], strides = [1, 1]} : vector<32x10240xf32> to vector<32x128xf32>
    %slice3A_98 = vector.extract_strided_slice %get3A_1 {offsets = [0, 5760], sizes = [32, 128], strides = [1, 1]} : vector<32x10240xf32> to vector<32x128xf32>
    %slice3A_99 = vector.extract_strided_slice %get3A_1 {offsets = [0, 5888], sizes = [32, 128], strides = [1, 1]} : vector<32x10240xf32> to vector<32x128xf32>
    %slice3A_100 = vector.extract_strided_slice %get3A_1 {offsets = [0, 6016], sizes = [32, 128], strides = [1, 1]} : vector<32x10240xf32> to vector<32x128xf32>
    %concatenate3A_101 = tpu.concatenate %slice3A_97, %slice3A_98, %slice3A_99, %slice3A_100 in 0 : vector<32x128xf32>, vector<32x128xf32>, vector<32x128xf32>, vector<32x128xf32> -> vector<128x128xf32>
    %transpose3A_102 = tpu.transpose %concatenate3A_101, [1, 0] : vector<128x128xf32> -> vector<128x128xf32>
    %swap3A_103 = arith.constant 1408 : index
    %swap3A_104 = arith.constant 0 : index
    %swap3A_105 = vector.load %arg2[%swap3A_103, %swap3A_104] : memref<2560x128xf32, #tpu.memory_space<vmem>>, vector<128x128xf32>
    tpu.vector_store %arg2[%swap3A_103, %swap3A_104], %transpose3A_102 {strides = array<i32>} : memref<2560x128xf32, #tpu.memory_space<vmem>>, vector<128x128xf32>,
    %slice3A_106 = vector.extract_strided_slice %get3A_1 {offsets = [0, 6144], sizes = [32, 128], strides = [1, 1]} : vector<32x10240xf32> to vector<32x128xf32>
    %slice3A_107 = vector.extract_strided_slice %get3A_1 {offsets = [0, 6272], sizes = [32, 128], strides = [1, 1]} : vector<32x10240xf32> to vector<32x128xf32>
    %slice3A_108 = vector.extract_strided_slice %get3A_1 {offsets = [0, 6400], sizes = [32, 128], strides = [1, 1]} : vector<32x10240xf32> to vector<32x128xf32>
    %slice3A_109 = vector.extract_strided_slice %get3A_1 {offsets = [0, 6528], sizes = [32, 128], strides = [1, 1]} : vector<32x10240xf32> to vector<32x128xf32>
    %concatenate3A_110 = tpu.concatenate %slice3A_106, %slice3A_107, %slice3A_108, %slice3A_109 in 0 : vector<32x128xf32>, vector<32x128xf32>, vector<32x128xf32>, vector<32x128xf32> -> vector<128x128xf32>
    %transpose3A_111 = tpu.transpose %concatenate3A_110, [1, 0] : vector<128x128xf32> -> vector<128x128xf32>
    %swap3A_112 = arith.constant 1536 : index
    %swap3A_113 = arith.constant 0 : index
    %swap3A_114 = vector.load %arg2[%swap3A_112, %swap3A_113] : memref<2560x128xf32, #tpu.memory_space<vmem>>, vector<128x128xf32>
    tpu.vector_store %arg2[%swap3A_112, %swap3A_113], %transpose3A_111 {strides = array<i32>} : memref<2560x128xf32, #tpu.memory_space<vmem>>, vector<128x128xf32>,
    %slice3A_115 = vector.extract_strided_slice %get3A_1 {offsets = [0, 6656], sizes = [32, 128], strides = [1, 1]} : vector<32x10240xf32> to vector<32x128xf32>
    %slice3A_116 = vector.extract_strided_slice %get3A_1 {offsets = [0, 6784], sizes = [32, 128], strides = [1, 1]} : vector<32x10240xf32> to vector<32x128xf32>
    %slice3A_117 = vector.extract_strided_slice %get3A_1 {offsets = [0, 6912], sizes = [32, 128], strides = [1, 1]} : vector<32x10240xf32> to vector<32x128xf32>
    %slice3A_118 = vector.extract_strided_slice %get3A_1 {offsets = [0, 7040], sizes = [32, 128], strides = [1, 1]} : vector<32x10240xf32> to vector<32x128xf32>
    %concatenate3A_119 = tpu.concatenate %slice3A_115, %slice3A_116, %slice3A_117, %slice3A_118 in 0 : vector<32x128xf32>, vector<32x128xf32>, vector<32x128xf32>, vector<32x128xf32> -> vector<128x128xf32>
    %transpose3A_120 = tpu.transpose %concatenate3A_119, [1, 0] : vector<128x128xf32> -> vector<128x128xf32>
    %swap3A_121 = arith.constant 1664 : index
    %swap3A_122 = arith.constant 0 : index
    %swap3A_123 = vector.load %arg2[%swap3A_121, %swap3A_122] : memref<2560x128xf32, #tpu.memory_space<vmem>>, vector<128x128xf32>
    tpu.vector_store %arg2[%swap3A_121, %swap3A_122], %transpose3A_120 {strides = array<i32>} : memref<2560x128xf32, #tpu.memory_space<vmem>>, vector<128x128xf32>,
    %slice3A_124 = vector.extract_strided_slice %get3A_1 {offsets = [0, 7168], sizes = [32, 128], strides = [1, 1]} : vector<32x10240xf32> to vector<32x128xf32>
    %slice3A_125 = vector.extract_strided_slice %get3A_1 {offsets = [0, 7296], sizes = [32, 128], strides = [1, 1]} : vector<32x10240xf32> to vector<32x128xf32>
    %slice3A_126 = vector.extract_strided_slice %get3A_1 {offsets = [0, 7424], sizes = [32, 128], strides = [1, 1]} : vector<32x10240xf32> to vector<32x128xf32>
    %slice3A_127 = vector.extract_strided_slice %get3A_1 {offsets = [0, 7552], sizes = [32, 128], strides = [1, 1]} : vector<32x10240xf32> to vector<32x128xf32>
    %concatenate3A_128 = tpu.concatenate %slice3A_124, %slice3A_125, %slice3A_126, %slice3A_127 in 0 : vector<32x128xf32>, vector<32x128xf32>, vector<32x128xf32>, vector<32x128xf32> -> vector<128x128xf32>
    %transpose3A_129 = tpu.transpose %concatenate3A_128, [1, 0] : vector<128x128xf32> -> vector<128x128xf32>
    %swap3A_130 = arith.constant 1792 : index
    %swap3A_131 = arith.constant 0 : index
    %swap3A_132 = vector.load %arg2[%swap3A_130, %swap3A_131] : memref<2560x128xf32, #tpu.memory_space<vmem>>, vector<128x128xf32>
    tpu.vector_store %arg2[%swap3A_130, %swap3A_131], %transpose3A_129 {strides = array<i32>} : memref<2560x128xf32, #tpu.memory_space<vmem>>, vector<128x128xf32>,
    %slice3A_133 = vector.extract_strided_slice %get3A_1 {offsets = [0, 7680], sizes = [32, 128], strides = [1, 1]} : vector<32x10240xf32> to vector<32x128xf32>
    %slice3A_134 = vector.extract_strided_slice %get3A_1 {offsets = [0, 7808], sizes = [32, 128], strides = [1, 1]} : vector<32x10240xf32> to vector<32x128xf32>
    %slice3A_135 = vector.extract_strided_slice %get3A_1 {offsets = [0, 7936], sizes = [32, 128], strides = [1, 1]} : vector<32x10240xf32> to vector<32x128xf32>
    %slice3A_136 = vector.extract_strided_slice %get3A_1 {offsets = [0, 8064], sizes = [32, 128], strides = [1, 1]} : vector<32x10240xf32> to vector<32x128xf32>
    %concatenate3A_137 = tpu.concatenate %slice3A_133, %slice3A_134, %slice3A_135, %slice3A_136 in 0 : vector<32x128xf32>, vector<32x128xf32>, vector<32x128xf32>, vector<32x128xf32> -> vector<128x128xf32>
    %transpose3A_138 = tpu.transpose %concatenate3A_137, [1, 0] : vector<128x128xf32> -> vector<128x128xf32>
    %swap3A_139 = arith.constant 1920 : index
    %swap3A_140 = arith.constant 0 : index
    %swap3A_141 = vector.load %arg2[%swap3A_139, %swap3A_140] : memref<2560x128xf32, #tpu.memory_space<vmem>>, vector<128x128xf32>
    tpu.vector_store %arg2[%swap3A_139, %swap3A_140], %transpose3A_138 {strides = array<i32>} : memref<2560x128xf32, #tpu.memory_space<vmem>>, vector<128x128xf32>,
    %slice3A_142 = vector.extract_strided_slice %get3A_1 {offsets = [0, 8192], sizes = [32, 128], strides = [1, 1]} : vector<32x10240xf32> to vector<32x128xf32>
    %slice3A_143 = vector.extract_strided_slice %get3A_1 {offsets = [0, 8320], sizes = [32, 128], strides = [1, 1]} : vector<32x10240xf32> to vector<32x128xf32>
    %slice3A_144 = vector.extract_strided_slice %get3A_1 {offsets = [0, 8448], sizes = [32, 128], strides = [1, 1]} : vector<32x10240xf32> to vector<32x128xf32>
    %slice3A_145 = vector.extract_strided_slice %get3A_1 {offsets = [0, 8576], sizes = [32, 128], strides = [1, 1]} : vector<32x10240xf32> to vector<32x128xf32>
    %concatenate3A_146 = tpu.concatenate %slice3A_142, %slice3A_143, %slice3A_144, %slice3A_145 in 0 : vector<32x128xf32>, vector<32x128xf32>, vector<32x128xf32>, vector<32x128xf32> -> vector<128x128xf32>
    %transpose3A_147 = tpu.transpose %concatenate3A_146, [1, 0] : vector<128x128xf32> -> vector<128x128xf32>
    %swap3A_148 = arith.constant 2048 : index
    %swap3A_149 = arith.constant 0 : index
    %swap3A_150 = vector.load %arg2[%swap3A_148, %swap3A_149] : memref<2560x128xf32, #tpu.memory_space<vmem>>, vector<128x128xf32>
    tpu.vector_store %arg2[%swap3A_148, %swap3A_149], %transpose3A_147 {strides = array<i32>} : memref<2560x128xf32, #tpu.memory_space<vmem>>, vector<128x128xf32>,
    %slice3A_151 = vector.extract_strided_slice %get3A_1 {offsets = [0, 8704], sizes = [32, 128], strides = [1, 1]} : vector<32x10240xf32> to vector<32x128xf32>
    %slice3A_152 = vector.extract_strided_slice %get3A_1 {offsets = [0, 8832], sizes = [32, 128], strides = [1, 1]} : vector<32x10240xf32> to vector<32x128xf32>
    %slice3A_153 = vector.extract_strided_slice %get3A_1 {offsets = [0, 8960], sizes = [32, 128], strides = [1, 1]} : vector<32x10240xf32> to vector<32x128xf32>
    %slice3A_154 = vector.extract_strided_slice %get3A_1 {offsets = [0, 9088], sizes = [32, 128], strides = [1, 1]} : vector<32x10240xf32> to vector<32x128xf32>
    %concatenate3A_155 = tpu.concatenate %slice3A_151, %slice3A_152, %slice3A_153, %slice3A_154 in 0 : vector<32x128xf32>, vector<32x128xf32>, vector<32x128xf32>, vector<32x128xf32> -> vector<128x128xf32>
    %transpose3A_156 = tpu.transpose %concatenate3A_155, [1, 0] : vector<128x128xf32> -> vector<128x128xf32>
    %swap3A_157 = arith.constant 2176 : index
    %swap3A_158 = arith.constant 0 : index
    %swap3A_159 = vector.load %arg2[%swap3A_157, %swap3A_158] : memref<2560x128xf32, #tpu.memory_space<vmem>>, vector<128x128xf32>
    tpu.vector_store %arg2[%swap3A_157, %swap3A_158], %transpose3A_156 {strides = array<i32>} : memref<2560x128xf32, #tpu.memory_space<vmem>>, vector<128x128xf32>,
    %slice3A_160 = vector.extract_strided_slice %get3A_1 {offsets = [0, 9216], sizes = [32, 128], strides = [1, 1]} : vector<32x10240xf32> to vector<32x128xf32>
    %slice3A_161 = vector.extract_strided_slice %get3A_1 {offsets = [0, 9344], sizes = [32, 128], strides = [1, 1]} : vector<32x10240xf32> to vector<32x128xf32>
    %slice3A_162 = vector.extract_strided_slice %get3A_1 {offsets = [0, 9472], sizes = [32, 128], strides = [1, 1]} : vector<32x10240xf32> to vector<32x128xf32>
    %slice3A_163 = vector.extract_strided_slice %get3A_1 {offsets = [0, 9600], sizes = [32, 128], strides = [1, 1]} : vector<32x10240xf32> to vector<32x128xf32>
    %concatenate3A_164 = tpu.concatenate %slice3A_160, %slice3A_161, %slice3A_162, %slice3A_163 in 0 : vector<32x128xf32>, vector<32x128xf32>, vector<32x128xf32>, vector<32x128xf32> -> vector<128x128xf32>
    %transpose3A_165 = tpu.transpose %concatenate3A_164, [1, 0] : vector<128x128xf32> -> vector<128x128xf32>
    %swap3A_166 = arith.constant 2304 : index
    %swap3A_167 = arith.constant 0 : index
    %swap3A_168 = vector.load %arg2[%swap3A_166, %swap3A_167] : memref<2560x128xf32, #tpu.memory_space<vmem>>, vector<128x128xf32>
    tpu.vector_store %arg2[%swap3A_166, %swap3A_167], %transpose3A_165 {strides = array<i32>} : memref<2560x128xf32, #tpu.memory_space<vmem>>, vector<128x128xf32>,
    %slice3A_169 = vector.extract_strided_slice %get3A_1 {offsets = [0, 9728], sizes = [32, 128], strides = [1, 1]} : vector<32x10240xf32> to vector<32x128xf32>
    %slice3A_170 = vector.extract_strided_slice %get3A_1 {offsets = [0, 9856], sizes = [32, 128], strides = [1, 1]} : vector<32x10240xf32> to vector<32x128xf32>
    %slice3A_171 = vector.extract_strided_slice %get3A_1 {offsets = [0, 9984], sizes = [32, 128], strides = [1, 1]} : vector<32x10240xf32> to vector<32x128xf32>
    %slice3A_172 = vector.extract_strided_slice %get3A_1 {offsets = [0, 10112], sizes = [32, 128], strides = [1, 1]} : vector<32x10240xf32> to vector<32x128xf32>
    %concatenate3A_173 = tpu.concatenate %slice3A_169, %slice3A_170, %slice3A_171, %slice3A_172 in 0 : vector<32x128xf32>, vector<32x128xf32>, vector<32x128xf32>, vector<32x128xf32> -> vector<128x128xf32>
    %transpose3A_174 = tpu.transpose %concatenate3A_173, [1, 0] : vector<128x128xf32> -> vector<128x128xf32>
    %swap3A_175 = arith.constant 2432 : index
    %swap3A_176 = arith.constant 0 : index
    %swap3A_177 = vector.load %arg2[%swap3A_175, %swap3A_176] : memref<2560x128xf32, #tpu.memory_space<vmem>>, vector<128x128xf32>
    tpu.vector_store %arg2[%swap3A_175, %swap3A_176], %transpose3A_174 {strides = array<i32>} : memref<2560x128xf32, #tpu.memory_space<vmem>>, vector<128x128xf32>,
    return
  }
  func.func @transform_0(%arg0: i32) -> (i32, i32) {
    %c0_i32 = arith.constant 0 : i32
    %c0_i32_0 = arith.constant 0 : i32
    return %c0_i32, %arg0 : i32, i32
  }
  func.func @transform_1(%arg0: i32) -> (i32, i32) {
    %c0_i32 = arith.constant 0 : i32
    %c0_i32_0 = arith.constant 0 : i32
    return %arg0, %c0_i32 : i32, i32
  }
}

</mosaic_0001>

<sc_bundles>
// kernel: kernel.4.cloned.1.call-start
scs
__scs_entry_jumppad:
0x0: {  	(pc) =	sbr.rel $0x88, $3  }
0x1: {  	(tag) =	ssettag $0x0;
	lr =	simm.s32 $0x1  }
0x2: {  	[smem:$0x3F9F] =	sst lr;
	_ =	strace $0xD0000000  }
0x3: {  	_ = 	snop  }
0x4: {  	_ = 	snop  }
0x5: {  	_ = 	snop  }
0x6: {  	_ = 	snop  }
0x7: {  	_ = 	snop  }
__scs_overlays_trampoline_lowered:
0x8: {  	[smem:$0x3FAE] =	sst s0  }
0x9: {  	[smem:$0x3FAF] =	sst s1  }
0xa: {  	[smem:$0x3FB0] =	sst s2  }
0xb: {  	[smem:$0x3FB1] =	sst s3  }
0xc: {  	[smem:$0x3FB2] =	sst s4  }
0xd: {  	[smem:$0x3FB3] =	sst s5  }
0xe: {  	[smem:$0x3FB4] =	sst s6  }
0xf: {  	[smem:$0x3FB5] =	sst s7  }
0x10: {  	[smem:$0x3FB6] =	sst s8  }
0x11: {  	[smem:$0x3FB7] =	sst s9;
	s0 =	simm.s32 @!p0 $0x0  }
0x12: {  	s1 =	sld [smem:$0x3F9D];
	s0 =	simm.s32 @p0 $0x1  }
0x13: {  	[smem:$0x3FB8] =	sst s0;
	s0 =	simm.s32 @!p1 $0x0  }
0x14: {  	s2 =	sld [smem:$0x3F9C];
	s0 =	simm.s32 @p1 $0x1  }
0x15: {  	[smem:$0x3FB9] =	sst s0;
	s0 =	simm.s32 @!p2 $0x0  }
0x16: {  	s3 =	sld [smem:$0x3FDB];
	s0 =	simm.s32 @p2 $0x1  }
0x17: {  	s4 =	simm.s32 $0x1BF5;
	[smem:$0x3FBB] =	sst s0  }
0x18: {  	s0 =	sld [smem:$0x3F9E];
	_ =	swait.ge [sflag:s4], $0x0  }
0x19: {  	s7 =	sld [smem:$0x3F9F]  }
0x1a: {  	s8 =	sadd.s32 $0xFFFFE003, lr  }
0x1b: {  	s9 =	sadd.s32 $0xFFFFFEF7, lr;
	s5 =	simm.s32 $0xFFFFFFFF;
	p2 =	slt.u32 s8, $0xFFFFF086  }
0x1c: {  	p1 =	slt.u32 s9, $0xF7A;
	s5 =	simm.s32 @!p2 $0x0  }
0x1d: {  	s5 =	simm.s32 @p1 $0x1;
	p0 =	seq.s32 s7, s2  }
0x1e: {  	s7 =	smul.u32 @!p0 $0xF7A, s2;
	p2 =	seq.s32 @!p0 s5, $0x0  }
0x1f: {  	s9 =	smul.u32 $0xF7A, s1;
	s8 =	simm.s32 @!p0 $0x1BF5;
	p2 =	por !p2, p0  }
0x20: {  	[sflag:s8] =	ssyncset.s32 @!p0 $0xFFFFF086;
	s6 =	sadd.s32 @!p0 s3, s7;
	s7 =	simm.s32 @!p0 $0x108  }
0x21: {  	s3 =	sadd.s32 s3, s9;
	s6 =	sadd.s32 @!p0 $0x88, s6;
	s7 =	simm.s32 @p2 $0x1082  }
0x22: {  	[simem:s7], [sflag:s8] =	dma.local @!p0 [hbm:s6], $0xF7A  }
0x23: {  	s9 =	sor.u32 $0xD0000000, s2;
	s6 =	simm.s32 $0x108;
	_ =	swait.ge @!p0 [sflag:s8], $0x0  }
0x24: {  	s3 =	sadd.s32 $0x88, s3;
	s6 =	simm.s32 @!p1 $0x1082;
	[sflag:s4] =	ssyncset.s32 $0xFFFFF086  }
0x25: {  	[simem:s6], [sflag:s4] =	dma.local [hbm:s3], $0xF7A  }
0x26: {  	[smem:$0x3F9F] =	sst s1;
	(tag) =	ssettag s2;
	_ =	strace s9  }
0x27: {  	s1 =	sld [smem:$0x3FAF]  }
0x28: {  	s2 =	sld [smem:$0x3FB0]  }
0x29: {  	s4 =	sld [smem:$0x3FB2]  }
0x2a: {  	p0 =	seq.s32 s5, $0x0;
	s5 =	sld [smem:$0x3FB3]  }
0x2b: {  	s6 =	sld [smem:$0x3FB4]  }
0x2c: {  	s7 =	sld [smem:$0x3FB5]  }
0x2d: {  	s3 =	simm.s32 $0x108;
	s8 =	sld [smem:$0x3FB6]  }
0x2e: {  	s3 =	simm.s32 @!p0 $0x1082;
	s9 =	sld [smem:$0x3FB7]  }
0x2f: {  	lr =	sadd.s32 s0, s3;
	s0 =	sld [smem:$0x3FAE]  }
0x30: {  	s3 =	sld [smem:$0x3FB1]  }
0x31: {  	[smem:$0x3FBA] =	sst s10  }
0x32: {  	s10 =	sld [smem:$0x3FB8];
	_ =	sdelay $0x3  }
0x33: {  	p0 =	seq.s32 s10, $0x1;
	s10 =	sld [smem:$0x3FBA];
	_ =	sdelay $0x3  }
0x34: {  	[smem:$0x3FBA] =	sst s10  }
0x35: {  	s10 =	sld [smem:$0x3FB9];
	_ =	sdelay $0x3  }
0x36: {  	p1 =	seq.s32 s10, $0x1;
	s10 =	sld [smem:$0x3FBA];
	_ =	sdelay $0x3  }
0x37: {  	[smem:$0x3FBA] =	sst s10  }
0x38: {  	s10 =	sld [smem:$0x3FBB]  }
0x39: {  	_ = 	snop;
	(pc) =	sbr.ind lr, $3  }
0x3a: {  	_ = 	snop  }
0x3b: {  	_ = 	snop  }
0x3c: {  	p2 =	seq.s32 s10, $0x1;
	s10 =	sld [smem:$0x3FBA]  }
0x3d: {  	_ =	shalt  }
0x3e: {  	_ =	shalt  }
0x3f: {  	_ =	shalt  }
0x40: {  	_ =	shalt  }
0x41: {  	_ =	shalt  }
0x42: {  	_ =	shalt  }
0x43: {  	_ =	shalt  }
0x44: {  	_ =	shalt  }
0x45: {  	_ =	shalt  }
0x46: {  	_ =	shalt  }
0x47: {  	_ =	shalt  }
0x48: {  	_ =	shalt  }
0x49: {  	_ =	shalt  }
0x4a: {  	_ =	shalt  }
0x4b: {  	_ =	shalt  }
0x4c: {  	_ =	shalt  }
0x4d: {  	_ =	shalt  }
0x4e: {  	_ =	shalt  }
0x4f: {  	_ =	shalt  }
0x50: {  	_ =	shalt  }
0x51: {  	_ =	shalt  }
0x52: {  	_ =	shalt  }
0x53: {  	_ =	shalt  }
0x54: {  	_ =	shalt  }
0x55: {  	_ =	shalt  }
0x56: {  	_ =	shalt  }
0x57: {  	_ =	shalt  }
0x58: {  	_ =	shalt  }
0x59: {  	_ =	shalt  }
0x5a: {  	_ =	shalt  }
0x5b: {  	_ =	shalt  }
0x5c: {  	_ =	shalt  }
0x5d: {  	_ =	shalt  }
0x5e: {  	_ =	shalt  }
0x5f: {  	_ =	shalt  }
0x60: {  	_ =	shalt  }
0x61: {  	_ =	shalt  }
0x62: {  	_ =	shalt  }
0x63: {  	_ =	shalt  }
0x64: {  	_ =	shalt  }
0x65: {  	_ =	shalt  }
0x66: {  	_ =	shalt  }
0x67: {  	_ =	shalt  }
0x68: {  	_ =	shalt  }
0x69: {  	_ =	shalt  }
0x6a: {  	_ =	shalt  }
0x6b: {  	_ =	shalt  }
0x6c: {  	_ =	shalt  }
0x6d: {  	_ =	shalt  }
0x6e: {  	_ =	shalt  }
0x6f: {  	_ =	shalt  }
0x70: {  	_ =	shalt  }
0x71: {  	_ =	shalt  }
0x72: {  	_ =	shalt  }
0x73: {  	_ =	shalt  }
0x74: {  	_ =	shalt  }
0x75: {  	_ =	shalt  }
0x76: {  	_ =	shalt  }
0x77: {  	_ =	shalt  }
0x78: {  	_ =	shalt  }
0x79: {  	_ =	shalt  }
0x7a: {  	_ =	shalt  }
0x7b: {  	_ =	shalt  }
0x7c: {  	_ =	shalt  }
0x7d: {  	_ =	shalt  }
0x7e: {  	_ =	shalt  }
0x7f: {  	_ =	shalt  }
0x80: {  	_ =	shalt  }
0x81: {  	_ =	shalt  }
0x82: {  	_ =	shalt  }
0x83: {  	_ =	shalt  }
0x84: {  	_ =	shalt  }
0x85: {  	_ =	shalt  }
0x86: {  	_ =	shalt  }
0x87: {  	_ =	shalt  }
.Lfunc_end0:
.L_simem_size_0:
called_computation_lowered:
.L_overlay_start_0:
0x88: {  	s2 =	sld [smem:$0x3FD9]  }
0x89: {  	s3 =	sld [smem:$0x3FFE];
	_ =	sdelay $0x1  }
0x8a: {  	s1 =	srdreg.scid  }
0x8b: {  	s0 =	sand.u32 $0x1, s1  }
0x8c: {  	s17 =	sshll.u32 s0, $0xA;
	s2 =	sadd.s32 s3, s2  }
0x8d: {  	s2 =	sadd.s32 s2, s17  }
0x8e: {  	[smem:$0x3FC6] =	sst s2  }
0x8f: {  	_ = 	snop  }
0x90: {  	s2 =	sld [smem:$0x3FC9]  }
0x91: {  	s18 =	sld [smem:$0x3FD0];
	(tm) =	ssettm $0x1  }
0x92: {  	s4 =	sld [smem:$0x3FFB];
	_ =	sdelay $0x3  }
0x93: {  	_ =	strace s4  }
0x94: {  	s4 =	sld [smem:$0x3FFC];
	_ =	sdelay $0x3  }
0x95: {  	_ =	strace s4  }
0x96: {  	s4 =	sld [smem:$0x3FFD];
	_ =	sdelay $0x3  }
0x97: {  	_ =	strace s4  }
0x98: {  	_ =	strace $0x8FFFFFFF  }
0x99: {  	s19 =	sld [smem:$0x3FDB];
	_ =	sdelay $0x1  }
0x9a: {  	s5 =	simm.s32 $_scs_section_size  }
0x9b: {  	s6 =	simm.s32 $_size__tile_overlayer_lowered;
	s7 =	simm.s32 $_tile_overlayer_lowered  }
0x9c: {  	s22 =	simm.s32 $0x1BFF;
	s21 =	sshll.u32 s7, $0x1;
	s4 =	sadd.s32 s5, s19  }
0x9d: {  	s8 =	simm.s32 $0x0;
	s20 =	sshll.u32 s6, $0x1;
	s6 =	sadd.s32 s21, s4  }
0x9e: {  	[timem:s8], [sflag:s22] =	dma.local [hbm:s6], s20  }
0x9f: {  	_ =	swait.ge [sflag:s22], s20  }
0xa0: {  	s5 =	ssub.s32 $0x0, s20;
	[sflag:s22] =	ssyncset.done $0x0  }
0xa1: {  	[sflag:s22] =	ssyncadd.s32 s5;
	_ =	sdelay $0x1  }
0xa2: {  	s23 =	simm.s32 $0x1B8B  }
0xa3: {  	_ =	swait.ge [sflag:s23], $0x1  }
0xa4: {  	[sflag:s23] =	ssyncset.done $0x0  }
0xa5: {  	s25 =	simm.s32 $0x1B8E;
	s24 =	sld [smem:$0x3FFE];
	[sflag:s23] =	ssyncadd.s32 $0xFFFFFFFF  }
0xa6: {  	s26 =	simm.s32 $execute0_lowered;
	[smem:$0x3FD2] =	sst s25  }
0xa7: {  	s6 =	sshll.u32 s26, $0x1;
	_ =	strace $0x80000046;
	[dreg:$0x1] =	wrdreg $0xFFFFFFFF  }
0xa8: {  	s28 =	simm.s32 $_size_execute0_lowered;
	s4 =	sadd.s32 s4, s6;
	[dreg:$0x0] =	wrdreg $0x0  }
0xa9: {  	s6 =	sshll.u32 s28, $0x1;
	[dreg:$0x2] =	wrdreg s4  }
0xaa: {  	[dreg:$0x3] =	wrdreg s6  }
0xab: {  	[dreg:$0x4] =	wrdreg $0xC0  }
0xac: {  	_ =	task [dreg:s8], $0x5FFFF  }
0xad: {  	[dreg:$0x1] =	wrdreg $0xFFFFFFFF  }
0xae: {  	[dreg:$0x0] =	wrdreg $0x60  }
0xaf: {  	[dreg:$0x2] =	wrdreg s24  }
0xb0: {  	[dreg:$0x3] =	wrdreg s2  }
0xb1: {  	[dreg:$0x4] =	wrdreg s18  }
0xb2: {  	[dreg:$0x5] =	wrdreg $0x9  }
0xb3: {  	_ =	task.clear_ibuf [dreg:s8], $0x6FFFF;
	_ =	strace $0x90000046  }
0xb4: {  	s29 =	simm.s32 $0x9;
	_ =	strace $0x80000048  }
0xb5: {  	_ =	swait.ge [sflag:s29], $0x1  }
0xb6: {  	[sflag:s29] =	ssyncadd.s32 $0xFFFFFFFF  }
0xb7: {  	_ =	strace $0x90000048  }
0xb8: {  	_ =	sfence  }
0xb9: {  	s30 =	sld [smem:$0x0];
	_ =	sdelay $0x2  }
0xba: {  	s31 =	sshll.u32 s1, $0xD;
	s1 =	sshrl.u32 s1, $0x2  }
0xbb: {  	s3 =	sand.u32 $0x4000, s31;
	s1 =	sadd.s32 s1, s30  }
0xbc: {  	s0 =	sor.u32 s3, s0;
	s1 =	sshll.u32 s1, $0x11  }
0xbd: {  	s0 =	sor.u32 s1, s0  }
0xbe: {  	s0 =	sadd.s32 $0x8F2B, s0  }
0xbf: {  	[sflag:s0] =	ssyncadd.remote.s32 $0x1  }
0xc0: {  	_ =	sfence.sel $0xFFFF  }
0xc1: {  	[dreg:$0x0] =	wrdreg $0xFFFFFFFF;
	(pc) =	sbr.abs _section_cstart, $3  }
0xc2: {  	[dreg:$0x1] =	wrdreg $0xFFFFFFFF  }
0xc3: {  	_ =	task.clear_ibuf [dreg:s8], $0x2FFFF;
	_ =	strace $0x9FFFFFFF  }
0xc4: {  	(tm) =	ssettm $0x7FFFFFFF  }
0xc5: {  	_ =	shalt  }
tec
execute0_lowered:
.L_overlay_start_1:
0x0: {  	(tag) =	ssettag $0x1  }
0x1: {  	s3 =	rddreg [dreg:$0x0]  }
0x2: {  	s4 =	rddreg [dreg:$0x1]  }
0x3: {  	s5 =	rddreg [dreg:$0x2]  }
0x4: {  	s0 =	rddreg [dreg:$0x3];
	s6 =	srdreg.scid  }
0x5: {  	s2 =	simm.s32 $0x0;
	s1 =	stileid.u32;
	s10 =	simm.s32 $0x1  }
0x6: {  	s6 =	sand.u32 $0x1, s6;
	[smem:$0x7FF] =	sst s2;
	s7 =	sshll.u32 s1, $0xA  }
0x7: {  	s3 =	sadd.s32 $0x600, s3;
	s8 =	sshll.u32 s6, $0x9;
	s6 =	ssub.s32 $0x2, s6  }
0x8: {  	_ =	strace $0x80000047;
	s7 =	sor.u32 s8, s7;
	s31 =	sshrl.u32 s6, $0x1  }
0x9: {  	s8 =	simm.s32 $0x200;
	s9 =	sshrl.u32 s7, $0x3;
	s7 =	sshll.u32 s7, $0x2  }
0xa: {  	s6 =	ssub.s32 s6, s31;
	s4 =	sadd.s32 s4, s9;
	s5 =	sadd.s32 s5, s7  }
0xb: {  	s6 =	smax.u32 s6, $0x1;
	s7 =	simm.s32 $0x2;
	s9 =	simm.s32 $0x400  }
.LBB2_1:
0xc: {  	[tilespmem:s2], [sflag:$0x2] =	stream.linear.gather [hbm4b:s4+s2], $0x200, $0x38;
	[tilespmem:$0x4400] =	vst v63  }
0xd: {  	_ =	swait.ge [sflag:s7], $0x200  }
0xe: {  	[sflag:s7] =	ssyncset.done $0x0  }
0xf: {  	[sflag:s7] =	ssyncadd.s32 $0xFFFFFE00  }
0x10: {  	v0 =	vld [tilespmem:$0x0]  }
0x11: {  	v1 =	vld [tilespmem:$0x10]  }
0x12: {  	v2 =	vld [tilespmem:$0x20]  }
0x13: {  	v5 =	vld [tilespmem:$0x30]  }
0x14: {  	v6 =	vld [tilespmem:$0x40]  }
0x15: {  	v8 =	vld [tilespmem:$0x50]  }
0x16: {  	v51 =	vld [tilespmem:$0x60]  }
0x17: {  	v9 =	vld [tilespmem:$0x70];
	v3 =	vshll.u32 v0, $0x2  }
0x18: {  	v55 =	vld [tilespmem:$0x80];
	v4 =	vand.u32 $0xFFFFFE00, v0;
	v0 =	vshrl.u32 v0, $0x7;
	v43 =	vshll.u32 v1, $0x2  }
0x19: {  	v11 =	vld [tilespmem:$0x90];
	v44 =	vand.u32 $0xFFFFFE00, v1;
	v1 =	vshrl.u32 v1, $0x7;
	v45 =	vshll.u32 v2, $0x2  }
0x1a: {  	v12 =	vld [tilespmem:$0xA0];
	v7 =	vand.u32 $0xFFFFFE00, v2;
	v2 =	vshrl.u32 v2, $0x7;
	v47 =	vshll.u32 v5, $0x2  }
0x1b: {  	v62 =	vld [tilespmem:$0xB0];
	v48 =	vand.u32 $0xFFFFFE00, v5;
	v5 =	vshrl.u32 v5, $0x7;
	v50 =	vshll.u32 v6, $0x2  }
0x1c: {  	v14 =	vld [tilespmem:$0xC0];
	v52 =	vand.u32 $0xFFFFFE00, v6;
	v53 =	vshrl.u32 v6, $0x7;
	v54 =	vshll.u32 v8, $0x2  }
0x1d: {  	v22 =	vld [tilespmem:$0xE0];
	v10 =	vand.u32 $0xFFFFFE00, v8;
	v8 =	vshrl.u32 v8, $0x7;
	v56 =	vshll.u32 v51, $0x2  }
0x1e: {  	v30 =	vld [tilespmem:$0x110];
	v57 =	vand.u32 $0xFFFFFE00, v51;
	v58 =	vshll.u32 v9, $0x2;
	v59 =	vand.u32 $0xFFFFFE00, v9  }
0x1f: {  	v60 =	vshrl.u32 v9, $0x7;
	v61 =	vshll.u32 v55, $0x2;
	v13 =	vand.u32 $0xFFFFFE00, v55  }
0x20: {  	v15 =	vshll.u32 v11, $0x2;
	v16 =	vand.u32 $0xFFFFFE00, v11;
	v11 =	vshrl.u32 v11, $0x7  }
0x21: {  	v18 =	vshll.u32 v12, $0x2;
	v19 =	vand.u32 $0xFFFFFE00, v12;
	v20 =	vshrl.u32 v12, $0x7  }
0x22: {  	v21 =	vshll.u32 v62, $0x2;
	v23 =	vshll.u32 v14, $0x2;
	v24 =	vand.u32 $0xFFFFFE00, v14  }
0x23: {  	v14 =	vshrl.u32 v14, $0x7;
	v29 =	vshll.u32 v22, $0x2;
	v37 =	vshll.u32 v30, $0x2  }
0x24: {  	v3 =	vand.u32 $0x1FC, v3;
	v0 =	vand.u32 $0x3, v0;
	v1 =	vand.u32 $0x3, v1  }
0x25: {  	v46 =	vand.u32 $0x3, v2;
	v49 =	vand.u32 $0x3, v5;
	v5 =	vand.u32 $0x1FC, v50  }
0x26: {  	v6 =	vand.u32 $0x1FC, v54;
	v8 =	vand.u32 $0x3, v8;
	v9 =	vand.u32 $0x1FC, v61  }
0x27: {  	v17 =	vand.u32 $0x3, v11;
	v11 =	vand.u32 $0x1FC, v18;
	v12 =	vand.u32 $0x1FC, v21  }
0x28: {  	v25 =	vand.u32 $0x3, v14;
	v3 =	vor.u32 v4, v3;
	v4 =	vand.u32 $0x1FC, v43  }
0x29: {  	v6 =	vor.u32 v10, v6;
	v10 =	vshrl.u32 v55, $0x7;
	v9 =	vor.u32 v13, v9  }
0x2a: {  	v38 =	vld [tilespmem:$0x140];
	v13 =	vshrl.u32 v62, $0x7;
	v0 =	vor.u32 v0, v3;
	v3 =	vor.u32 v44, v4  }
0x2b: {  	v4 =	vand.u32 $0x1FC, v45;
	v10 =	vand.u32 $0x3, v10;
	v13 =	vand.u32 $0x3, v13  }
0x2c: {  	v4 =	vor.u32 v7, v4;
	v2 =	vor.u32 v1, v3;
	v3 =	vand.u32 $0x1FC, v47  }
0x2d: {  	v7 =	vshrl.u32 v51, $0x7;
	v63 =	vor.u32 v10, v9;
	v9 =	vand.u32 $0x1FC, v15  }
0x2e: {  	v10 =	vor.u32 v19, v11;
	v11 =	vand.u32 $0x3, v20;
	v19 =	vand.u32 $0xFFFFFE00, v22  }
0x2f: {  	v51 =	vand.u32 $0xFFFFFE00, v38;
	v1 =	vor.u32 v46, v4;
	v3 =	vor.u32 v48, v3  }
0x30: {  	v18 =	vld [tilespmem:$0x100];
	v4 =	vor.u32 v52, v5;
	v5 =	vand.u32 $0x3, v53;
	v7 =	vand.u32 $0x3, v7  }
0x31: {  	v21 =	vld [tilespmem:$0x130];
	v9 =	vor.u32 v16, v9;
	v16 =	vand.u32 $0xFFFFFE00, v62;
	v10 =	vor.u32 v11, v10  }
0x32: {  	v52 =	vshrl.u32 v38, $0x7;
	v3 =	vor.u32 v49, v3;
	v4 =	vor.u32 v5, v4  }
0x33: {  	v50 =	vld [tilespmem:$0x160];
	v5 =	vor.u32 v8, v6;
	v6 =	vand.u32 $0x1FC, v56;
	v8 =	vand.u32 $0x1FC, v58  }
0x34: {  	v9 =	vor.u32 v17, v9;
	v12 =	vor.u32 v16, v12;
	v16 =	vshrl.u32 v22, $0x7  }
0x35: {  	v34 =	vshll.u32 v18, $0x2;
	v35 =	vand.u32 $0xFFFFFE00, v18;
	v36 =	vshrl.u32 v18, $0x7  }
0x36: {  	v55 =	vld [tilespmem:$0x170];
	v22 =	vand.u32 $0xFFFFFE00, v30;
	v18 =	vand.u32 $0x1FC, v37;
	v43 =	vshll.u32 v21, $0x2  }
0x37: {  	v45 =	vand.u32 $0xFFFFFE00, v21;
	v48 =	vshrl.u32 v21, $0x7;
	v49 =	vshll.u32 v38, $0x2  }
0x38: {  	[tilespmem:$0x280] =	vst v63;
	v54 =	vand.u32 $0x3, v52;
	v62 =	vand.u32 $0xFFFFFE00, v50;
	v63 =	vshrl.u32 v50, $0x7  }
0x39: {  	v15 =	vld [tilespmem:$0xD0];
	v6 =	vor.u32 v57, v6;
	v11 =	vor.u32 v13, v12;
	v12 =	vand.u32 $0x1FC, v23  }
0x3a: {  	v20 =	vld [tilespmem:$0x120];
	v16 =	vand.u32 $0x3, v16;
	v18 =	vor.u32 v22, v18;
	v46 =	vand.u32 $0x1FC, v43  }
0x3b: {  	v53 =	vand.u32 $0x3, v48;
	v22 =	vand.u32 $0xFFFFFE00, v55;
	v6 =	vor.u32 v7, v6  }
0x3c: {  	v61 =	vld [tilespmem:$0x180];
	v7 =	vor.u32 v59, v8;
	v8 =	vand.u32 $0x3, v60;
	v12 =	vor.u32 v24, v12  }
0x3d: {  	v47 =	vor.u32 v45, v46;
	v60 =	vshll.u32 v50, $0x2;
	v7 =	vor.u32 v8, v7  }
0x3e: {  	v26 =	vshll.u32 v15, $0x2;
	v12 =	vor.u32 v25, v12;
	v27 =	vand.u32 $0xFFFFFE00, v15  }
0x3f: {  	[tilespmem:$0x210] =	vst v2;
	v28 =	vshrl.u32 v15, $0x7;
	v15 =	vand.u32 $0x1FC, v29;
	v40 =	vshll.u32 v20, $0x2  }
0x40: {  	v17 =	vld [tilespmem:$0xF0];
	[tilespmem:$0x250] =	vst v5;
	v41 =	vand.u32 $0xFFFFFE00, v20;
	v20 =	vshrl.u32 v20, $0x7;
	v2 =	vor.u32 v53, v47  }
0x41: {  	[tilespmem:$0x260] =	vst v6;
	v5 =	vand.u32 $0x1FC, v60;
	v6 =	vshrl.u32 v61, $0x7;
	v14 =	vand.u32 $0x1FC, v26  }
0x42: {  	v21 =	vld [tilespmem:$0x190];
	v15 =	vor.u32 v19, v15;
	v19 =	vshrl.u32 v30, $0x7;
	v42 =	vand.u32 $0x3, v20  }
0x43: {  	[tilespmem:$0x240] =	vst v4;
	v4 =	vor.u32 v62, v5;
	v20 =	vshll.u32 v55, $0x2;
	v5 =	vand.u32 $0x3, v63  }
0x44: {  	v6 =	vand.u32 $0x3, v6;
	v13 =	vor.u32 v27, v14;
	v14 =	vand.u32 $0x3, v28  }
0x45: {  	v31 =	vshll.u32 v17, $0x2;
	v32 =	vand.u32 $0xFFFFFE00, v17;
	v17 =	vshrl.u32 v17, $0x7  }
0x46: {  	v23 =	vld [tilespmem:$0x150];
	[tilespmem:$0x270] =	vst v7;
	v19 =	vand.u32 $0x3, v19;
	v7 =	vand.u32 $0x1FC, v20;
	v4 =	vor.u32 v5, v4  }
0x47: {  	v27 =	vshll.u32 v61, $0x2;
	v28 =	vand.u32 $0xFFFFFE00, v61;
	v29 =	vshll.u32 v21, $0x2  }
0x48: {  	v8 =	vshrl.u32 v21, $0x7;
	v13 =	vor.u32 v14, v13;
	v14 =	vor.u32 v16, v15  }
0x49: {  	v15 =	vand.u32 $0x1FC, v31;
	v33 =	vand.u32 $0x3, v17;
	v17 =	vand.u32 $0x1FC, v34  }
0x4a: {  	[tilespmem:$0x200] =	vst v0;
	v39 =	vor.u32 v19, v18;
	v18 =	vand.u32 $0x1FC, v40;
	v19 =	vand.u32 $0x1FC, v49  }
0x4b: {  	[tilespmem:$0x220] =	vst v1;
	v56 =	vshll.u32 v23, $0x2;
	v57 =	vand.u32 $0xFFFFFE00, v23;
	v58 =	vshrl.u32 v23, $0x7  }
0x4c: {  	[tilespmem:$0x2A0] =	vst v10;
	v23 =	vshrl.u32 v55, $0x7;
	v7 =	vor.u32 v22, v7;
	v31 =	vand.u32 $0xFFFFFE00, v21  }
0x4d: {  	[tilespmem:$0x290] =	vst v9;
	v25 =	vld [tilespmem:$0x1A0];
	v9 =	vand.u32 $0x1FC, v29;
	v8 =	vand.u32 $0x3, v8;
	v15 =	vor.u32 v32, v15  }
0x4e: {  	[tilespmem:$0x230] =	vst v3;
	v16 =	vor.u32 v35, v17;
	v17 =	vand.u32 $0x3, v36;
	v18 =	vor.u32 v41, v18  }
0x4f: {  	[tilespmem:$0x2B0] =	vst v11;
	v30 =	vld [tilespmem:$0x1B0];
	v1 =	vor.u32 v51, v19;
	v3 =	vand.u32 $0x1FC, v56;
	v59 =	vand.u32 $0x3, v58  }
0x50: {  	[tilespmem:$0x2C0] =	vst v12;
	v24 =	vand.u32 $0x3, v23;
	v15 =	vor.u32 v33, v15;
	v16 =	vor.u32 v17, v16  }
0x51: {  	[tilespmem:$0x330] =	vst v2;
	v44 =	vor.u32 v42, v18;
	v1 =	vor.u32 v54, v1;
	v3 =	vor.u32 v57, v3  }
0x52: {  	[tilespmem:$0x360] =	vst v4;
	v26 =	vor.u32 v24, v7;
	v7 =	vand.u32 $0x1FC, v27;
	v32 =	vshll.u32 v25, $0x2  }
0x53: {  	v49 =	vld [tilespmem:$0x1F0];
	[tilespmem:$0x2D0] =	vst v13;
	v34 =	vand.u32 $0xFFFFFE00, v25;
	v10 =	vshrl.u32 v25, $0x7;
	v3 =	vor.u32 v59, v3  }
0x54: {  	[tilespmem:$0x2E0] =	vst v14;
	v35 =	vld [tilespmem:$0x1D0];
	v7 =	vor.u32 v28, v7;
	v10 =	vand.u32 $0x3, v10;
	v38 =	vshll.u32 v30, $0x2  }
0x55: {  	[tilespmem:$0x310] =	vst v39;
	v39 =	vand.u32 $0xFFFFFE00, v30;
	v40 =	vshrl.u32 v30, $0x7;
	v6 =	vor.u32 v6, v7  }
0x56: {  	v33 =	vld [tilespmem:$0x1C0];
	[tilespmem:$0x2F0] =	vst v15;
	v7 =	vor.u32 v31, v9;
	v9 =	vand.u32 $0x1FC, v32;
	v42 =	vand.u32 $0x3, v40  }
0x57: {  	[tilespmem:$0x300] =	vst v16;
	v9 =	vor.u32 v34, v9;
	v36 =	vor.u32 v8, v7;
	v8 =	vand.u32 $0x1FC, v38  }
0x58: {  	[tilespmem:$0x320] =	vst v44;
	v60 =	vshll.u32 v49, $0x2;
	v61 =	vand.u32 $0xFFFFFE00, v49;
	v62 =	vshrl.u32 v49, $0x7  }
0x59: {  	[tilespmem:$0x340] =	vst v1;
	v44 =	vld [tilespmem:$0x1E0];
	v37 =	vor.u32 v10, v9;
	v41 =	vor.u32 v39, v8;
	v48 =	vshll.u32 v35, $0x2  }
0x5a: {  	[tilespmem:$0x370] =	vst v26;
	v50 =	vand.u32 $0xFFFFFE00, v35;
	v51 =	vshrl.u32 v35, $0x7;
	v63 =	vand.u32 $0x3, v62  }
0x5b: {  	[tilespmem:$0x350] =	vst v3;
	v43 =	vshll.u32 v33, $0x2;
	v1 =	vor.u32 v42, v41;
	v45 =	vand.u32 $0xFFFFFE00, v33  }
0x5c: {  	[tilespmem:$0x380] =	vst v6;
	v47 =	vshrl.u32 v33, $0x7;
	v4 =	vand.u32 $0x1FC, v48;
	v52 =	vand.u32 $0x3, v51  }
0x5d: {  	[tilespmem:$0x390] =	vst v36;
	v46 =	vand.u32 $0x1FC, v43;
	v4 =	vor.u32 v50, v4;
	v3 =	vand.u32 $0x3, v47  }
0x5e: {  	[tilespmem:$0x3A0] =	vst v37;
	v55 =	vshll.u32 v44, $0x2;
	v56 =	vand.u32 $0xFFFFFE00, v44;
	v57 =	vshrl.u32 v44, $0x7  }
0x5f: {  	[tilespmem:$0x3B0] =	vst v1;
	v2 =	vor.u32 v45, v46;
	v54 =	vor.u32 v52, v4;
	v4 =	vand.u32 $0x1FC, v60  }
0x60: {  	v53 =	vor.u32 v3, v2;
	v3 =	vand.u32 $0x1FC, v55;
	[tilespmem:$0x3D0] =	vst v54;
	v0 =	vor.u32 v61, v4  }
0x61: {  	v59 =	vand.u32 $0x3, v57;
	v58 =	vor.u32 v56, v3;
	[tilespmem:$0x3C0] =	vst v53;
	v0 =	vor.u32 v63, v0  }
0x62: {  	v1 =	vor.u32 v59, v58;
	[tilespmem:$0x3F0] =	vst v0  }
0x63: {  	[tilespmem:$0x3E0] =	vst v1  }
0x64: {  	[tilespmem:s9], [sflag:$0x1] =	stream.indirect.gather [hbm4b:s3+s8], $0x20, s8, s8, $0xb8;
	[tilespmem:$0x4400] =	vst v63  }
0x65: {  	_ =	swait.ge [sflag:s10], $0x4000  }
0x66: {  	p0 =	sne.s32 s6, $0x1;
	[sflag:s10] =	ssyncset.done $0x0  }
.Ltmp0:
0x67: {  	[sflag:s10] =	ssyncadd.s32 $0xFFFFC000;
	(pc) =	sbr.rel @p0 .LBB2_1-.Ltmp0, $4  }
0x68: {  	[hbm4b:s5+s2] =	stream.linear.scatter [tilespmem:s9], [sflag:$0x2], $0x4000, $0x38;
	[tilespmem:$0x4400] =	vst v63  }
0x69: {  	_ =	swait.ge [sflag:s7], $0x4000  }
0x6a: {  	[sflag:s7] =	ssyncset.done $0x0  }
0x6b: {  	s6 =	sadd.s32 $0xFFFFFFFF, s6;
	[sflag:s7] =	ssyncadd.s32 $0xFFFFC000  }
0x6c: {  	_ =	sfence.sel $0x180000  }
0x6d: {  	[bflag:$0x0] =	sbarrier.arrive $0xFFFF  }
0x6e: {  	p0 =	sne.s32 s1, $0x0;
	_ =	strace $0x90000047  }
0x6f: {  	s0 =	sadd.s32 @!p0 $0x100000, s0;
	[bflag:$0x2] =	sbarrier.arrive $0xFFFF  }
0x70: {  	[sflag:s0] =	ssyncadd.tile.s32 @!p0 $0x1;
	_ =	shalt  }
.Lfunc_end2:
_tile_overlayer_lowered:
.L_overlay_start_2:
0x71: {  	(tag) =	ssettag $0x2  }
0x72: {  	s0 =	rddreg [dreg:$0x0];
	s2 =	stileid.u32  }
0x73: {  	s1 =	rddreg [dreg:$0x1];
	p0 =	sne.s32 s2, $0x0  }
0x74: {  	s3 =	rddreg [dreg:$0x2];
	[bflag:$0x3] =	sbarrier.arrive $0xFFFF;
	s2 =	simm.s32 @!p0 $0x1C02  }
0x75: {  	[timem:s3], [sflag:s2] =	dma.local @!p0 [hbm:s0], s1  }
0x76: {  	s0 =	simm.s32 @!p0 $0x2  }
0x77: {  	_ =	swait.ge @!p0 [sflag:s0], s1  }
0x78: {  	s1 =	ssub.s32 @!p0 $0x0, s1;
	[sflag:s0] =	ssyncset.done @!p0 $0x0  }
0x79: {  	[sflag:s0] =	ssyncadd.s32 @!p0 s1  }
0x7a: {  	[bflag:$0x3] =	sbarrier.arrive $0xFFFF  }
0x7b: {  	_ =	shalt  }

</sc_bundles>
